<compile_context>
chip_gen: v7x
topology: tpu7x:2x2x1
jax: 0.10.2.dev20260603
libtpu: 0.0.44.dev20260713+nightly
codegen_flags: <defaults>
</compile_context>

<pallas_src>
import functools

import jax
import jax.numpy as jnp
from jax import lax
from jax.experimental import pallas as pl
from jax.experimental.pallas import tpu as pltpu
from jax.experimental.pallas import tpu_sc as plsc

N_NODES = 49152
F = 64
NVARS = 4
B = 2
V = 4

_NC = 2
_NS = 16
_NW = _NC * _NS

_NH = N_NODES // 2
_RH = NVARS * _NH
_NPW = _RH // _NW
_IDX_PER_XFER = 128
_XFERS_PER_BLK = 8
_BLK_ROWS = _IDX_PER_XFER * _XFERS_PER_BLK
_NBLK = _NPW // _BLK_ROWS
_XPW = _NPW // _IDX_PER_XFER


def _sc_gather_paired_half(table, idx3):
    mesh = plsc.VectorSubcoreMesh(core_axis_name="c", subcore_axis_name="s")

    @functools.partial(
        pl.kernel,
        out_type=jax.ShapeDtypeStruct((NVARS // 2, _NH, 2 * F), jnp.float32),
        mesh=mesh,
        compiler_params=pltpu.CompilerParams(use_tc_tiling_on_sc=False),
        scratch_types=[
            pltpu.VMEM((_XPW, _IDX_PER_XFER), jnp.int32),
            pltpu.VMEM((_BLK_ROWS, F), jnp.float32),
            pltpu.SemaphoreType.DMA,
        ],
    )
    def gather_kernel(table_hbm, idx_hbm, out_hbm, idx_v, rows_v, sem):
        wid = lax.axis_index("s") * _NC + lax.axis_index("c")
        u = wid // 8
        node0 = (wid % 8) * _NPW
        p = u // 2
        q = u % 2
        pltpu.sync_copy(idx_hbm.at[wid], idx_v)

        def blk_body(blk, _):
            copies = []
            for j in range(_XFERS_PER_BLK):
                copies.append(pltpu.async_copy(
                    table_hbm.at[idx_v.at[blk * _XFERS_PER_BLK + j]],
                    rows_v.at[pl.ds(j * _IDX_PER_XFER, _IDX_PER_XFER)],
                    sem,
                ))
            for c in copies:
                c.wait()
            pltpu.sync_copy(
                rows_v,
                out_hbm.at[p, pl.ds(node0 + blk * _BLK_ROWS, _BLK_ROWS),
                           pl.ds(q * F, F)],
            )
            return ()

        lax.fori_loop(0, _NBLK, blk_body, (), unroll=False)

    return gather_kernel(table, idx3)


_BNT = 4096


def _tpad_body(e_ref, o_ref):
    o_ref[0, :, :F] = jnp.swapaxes(e_ref[0], 0, 1)
    o_ref[0, :, F:] = jnp.zeros((_BNT, F), jnp.float32)


def _tc_tpad(embT):
    return pl.pallas_call(
        _tpad_body,
        grid=(NVARS, N_NODES // _BNT),
        in_specs=[pl.BlockSpec((1, F, _BNT), lambda u, n: (u, 0, n))],
        out_specs=pl.BlockSpec((1, _BNT, 2 * F), lambda u, n: (u, n, 0)),
        out_shape=jax.ShapeDtypeStruct((NVARS, N_NODES, 2 * F), jnp.float32),
    )(embT)


_BN = 8192
_NBH = _NH // _BN


def _film_body(vi_ref, x_ref, eg_ref, w_ref, b_ref, o_ref):
    bv = pl.program_id(1)
    vi = vi_ref[bv]
    pair = eg_ref[vi // 2]
    m_all = lax.dot_general(
        w_ref[...], pair, (((1,), (1,)), ((), ())),
        preferred_element_type=jnp.float32,
    )
    m = jnp.where(vi % 2 == 0, m_all[: 2 * F], m_all[2 * F :])
    m = m + b_ref[:, 0:1]
    o_ref[0, 0, 0] = x_ref[0, 0, 0] * m[:F] + m[F:]


def _film_body_alias(vi_ref, x_ref, eg_ref, w_ref, b_ref, prev_ref, o_ref):
    del prev_ref
    _film_body(vi_ref, x_ref, eg_ref, w_ref, b_ref, o_ref)


def _tc_film_half(vi, xT, eg, W2T, b2, half, prev=None):
    grid = (_NBH, B * V)
    base = half * _NBH

    in_specs = [
        pl.BlockSpec(
            (1, 1, 1, F, _BN),
            lambda n, bv, vi_ref: (bv // V, 0, bv % V, 0, base + n),
        ),
        pl.BlockSpec(
            (NVARS // 2, _BN, 2 * F),
            lambda n, bv, vi_ref: (0, n, 0),
        ),
        pl.BlockSpec((4 * F, 2 * F), lambda n, bv, vi_ref: (0, 0)),
        pl.BlockSpec((2 * F, 2 * F), lambda n, bv, vi_ref: (0, 0)),
    ]
    out_spec = pl.BlockSpec(
        (1, 1, 1, F, _BN),
        lambda n, bv, vi_ref: (bv // V, 0, bv % V, 0, base + n),
    )
    args = [vi, xT, eg, W2T, b2]
    kwargs = {}
    body = _film_body
    if prev is not None:
        in_specs.append(pl.BlockSpec(memory_space=pl.ANY))
        args.append(prev)
        kwargs["input_output_aliases"] = {5: 0}
        body = _film_body_alias
    grid_spec = pltpu.PrefetchScalarGridSpec(
        num_scalar_prefetch=1,
        grid=grid,
        in_specs=in_specs,
        out_specs=out_spec,
    )
    return pl.pallas_call(
        body,
        grid_spec=grid_spec,
        out_shape=jax.ShapeDtypeStruct(xT.shape, xT.dtype),
        **kwargs,
    )(*args)


def kernel(x, var_idx, adjc, embeddings, W, b):
    node_idx = 2 * adjc[:, 0].astype(jnp.int32)
    offs = (jnp.arange(NVARS, dtype=jnp.int32) * (2 * N_NODES))[:, None]
    idx0 = (offs + node_idx[None, :_NH]).reshape(_NW, _XPW, _IDX_PER_XFER)
    idx1 = (offs + node_idx[None, _NH:]).reshape(_NW, _XPW, _IDX_PER_XFER)
    table = _tc_tpad(jnp.swapaxes(embeddings, 1, 2))
    table = table.reshape(2 * NVARS * N_NODES, F)
    eg0 = _sc_gather_paired_half(table, idx0)
    eg1 = _sc_gather_paired_half(table, idx1)
    vi = var_idx.reshape(B * V).astype(jnp.int32)

    WT = W.T
    Z = jnp.zeros((2 * F, F), dtype=W.dtype)
    W2T = jnp.concatenate(
        [jnp.concatenate([WT, Z], axis=1), jnp.concatenate([Z, WT], axis=1)],
        axis=0,
    )
    b2 = jnp.tile(b.reshape(2 * F, 1), (1, 2 * F))

    xT = jnp.swapaxes(x, 3, 4)
    outT0 = _tc_film_half(vi, xT, eg0, W2T, b2, half=0)
    outT = _tc_film_half(vi, xT, eg1, W2T, b2, half=1, prev=outT0)
    return jnp.swapaxes(outT, 3, 4)

# --- scband reference (transcript-rebuilt; emitter-appended) ---
"""Pipeline reference for scband-mgembedding-558345748968 (READ-ONLY COPY).

The authoritative reference and input builder live on the scoring server;
editing this copy changes nothing except your own understanding.
"""

import jax, jax.numpy as jnp
import numpy as np

N_NODES = 49152
NH = 7
F = 64
NVARS = 4
B = 2
V = 4

def setup_inputs(seed: int = 0) -> dict:
    key = jax.random.key(seed)
    k1, k2, k3, k4, k5 = jax.random.split(key, 5)
    x = jax.random.normal(k1, (B, 1, V, N_NODES, F), dtype=jnp.float32)
    var_idx = jax.random.randint(k2, (B, 1, V), 0, NVARS)
    adjc = jax.random.randint(k3, (N_NODES, NH), 0, N_NODES)
    # learned multigrid embedding table: [n_vars_total, n_nodes, features]
    embeddings = jax.random.normal(k4, (NVARS, N_NODES, F), dtype=jnp.float32)
    # FiLM layer (features -> [2, features]) implemented as a linear map
    W = jax.random.normal(k5, (F, 2 * F), dtype=jnp.float32) * (1.0 / np.sqrt(F))
    b = jnp.zeros((2 * F,), dtype=jnp.float32)
    return {"x": x, "var_idx": var_idx, "adjc": adjc, "embeddings": embeddings, "W": W, "b": b}

def reference(x, var_idx, adjc, embeddings, W, b):
    # get_embeddings_from_var_idx: table lookup by variable index -> [B,1,V,N,F]
    embs = jnp.take(embeddings, var_idx, axis=0)
    # get_embs (no patch_index): idx = adjc[:, [0]]; gather along node dim
    # torch.gather(embs, dim=-2, index=idx.expand(...)) == take along node axis
    node_idx = adjc[:, 0]  # [N]
    embs = jnp.take(embs, node_idx, axis=-2)  # [B,1,V,N,F]
    # layer: features -> 2*features (scale/shift)
    out = embs @ W + b  # [B,1,V,N,2F]
    # embs.view(*embs.shape[:3], -1, 2*F); chunk(2, dim=-1)
    scale, shift = jnp.split(out, 2, axis=-1)
    # FiLM modulation of x_zooms[zoom]
    return x * scale + shift

if __name__ == "__main__":
    import jax
    _d = setup_inputs()
    print(jax.jit(kernel)(*tuple(_d.values())))

</pallas_src>

<mosaic_0001>
#map = affine_map<(d0, d1) -> (0, 0)>
#map1 = affine_map<(d0, d1) -> (0, 0, 0)>
module attributes {stable_mosaic.version = 14 : i64} {
  func.func @gather_kernel(%arg0: i32, %arg1: i32, %arg2: memref<393216x64xf32, #tpu.memory_space<hbm>>, %arg3: memref<32x24x128xi32, #tpu.memory_space<hbm>>, %arg4: memref<2x24576x128xf32, #tpu.memory_space<hbm>>, %arg5: memref<24x128xi32, #tpu.memory_space<vmem>>, %arg6: memref<1024x64xf32, #tpu.memory_space<vmem>>, %arg7: memref<!tpu.dma_semaphore, #tpu.memory_space<semaphore_mem>>) attributes {dimension_semantics = [#tpu.dimension_semantics<core_parallel>, #tpu.dimension_semantics<subcore_parallel>], iteration_bounds = array<i64: 2, 16>, scalar_prefetch = 0 : i64, scratch_operands = 3 : i64, tpu.core_type = #tpu.core_type<sc_vector_subcore>, window_params = [{transform_indices = #map}, {transform_indices = #map1}, {transform_indices = #map1}]} {
    %mul3A = arith.constant 2 : i32
    %mul3A_0 = arith.muli %arg1, %mul3A : i32
    %add3A = arith.addi %mul3A_0, %arg0 : i32
    %jit3A = arith.constant 8 : i32
    %div3A = arith.divsi %add3A, %jit3A : i32
    %sign3A = arith.constant 0 : i32
    %sign3A_1 = arith.cmpi sgt, %add3A, %sign3A : i32
    %sign3A_2 = arith.extui %sign3A_1 : i1 to i32
    %sign3A_3 = arith.constant 0 : i32
    %sign3A_4 = arith.cmpi slt, %add3A, %sign3A_3 : i32
    %sign3A_5 = arith.extui %sign3A_4 : i1 to i32
    %sign3A_6 = arith.subi %sign3A_2, %sign3A_5 : i32
    %sign3A_7 = arith.constant 0 : i32
    %sign3A_8 = arith.cmpi sgt, %jit3A, %sign3A_7 : i32
    %sign3A_9 = arith.extui %sign3A_8 : i1 to i32
    %sign3A_10 = arith.constant 0 : i32
    %sign3A_11 = arith.cmpi slt, %jit3A, %sign3A_10 : i32
    %sign3A_12 = arith.extui %sign3A_11 : i1 to i32
    %sign3A_13 = arith.subi %sign3A_9, %sign3A_12 : i32
    %ne3A = arith.cmpi ne, %sign3A_6, %sign3A_13 : i32
    %rem3A = arith.remsi %add3A, %jit3A : i32
    %ne3A_14 = arith.constant 0 : i32
    %ne3A_15 = arith.cmpi ne, %rem3A, %ne3A_14 : i32
    %and3A = arith.andi %ne3A, %ne3A_15 : i1
    %sub3A = arith.constant 1 : i32
    %sub3A_16 = arith.subi %div3A, %sub3A : i32
    %select_n3A = arith.select %and3A, %sub3A_16, %div3A : i32
    %jit3A_17 = arith.constant 8 : i32
    %eq3A = arith.constant 0 : i32
    %eq3A_18 = arith.cmpi eq, %jit3A_17, %eq3A : i32
    %jit3A_19 = arith.constant 1 : i32
    %select_n3A_20 = arith.select %eq3A_18, %jit3A_19, %jit3A_17 : i32
    %rem3A_21 = arith.remsi %add3A, %select_n3A_20 : i32
    %ne3A_22 = arith.constant 0 : i32
    %ne3A_23 = arith.cmpi ne, %rem3A_21, %ne3A_22 : i32
    %lt3A = arith.constant 0 : i32
    %lt3A_24 = arith.cmpi slt, %rem3A_21, %lt3A : i32
    %lt3A_25 = arith.constant 0 : i32
    %lt3A_26 = arith.cmpi slt, %select_n3A_20, %lt3A_25 : i32
    %ne3A_27 = arith.xori %lt3A_24, %lt3A_26 : i1
    %and3A_28 = arith.andi %ne3A_27, %ne3A_23 : i1
    %add3A_29 = arith.addi %rem3A_21, %select_n3A_20 : i32
    %select_n3A_30 = arith.select %and3A_28, %add3A_29, %rem3A_21 : i32
    %mul3A_31 = arith.constant 3072 : i32
    %mul3A_32 = arith.muli %select_n3A_30, %mul3A_31 : i32
    %jit3A_33 = arith.constant 2 : i32
    %div3A_34 = arith.divsi %select_n3A, %jit3A_33 : i32
    %sign3A_35 = arith.constant 0 : i32
    %sign3A_36 = arith.cmpi sgt, %select_n3A, %sign3A_35 : i32
    %sign3A_37 = arith.extui %sign3A_36 : i1 to i32
    %sign3A_38 = arith.constant 0 : i32
    %sign3A_39 = arith.cmpi slt, %select_n3A, %sign3A_38 : i32
    %sign3A_40 = arith.extui %sign3A_39 : i1 to i32
    %sign3A_41 = arith.subi %sign3A_37, %sign3A_40 : i32
    %sign3A_42 = arith.constant 0 : i32
    %sign3A_43 = arith.cmpi sgt, %jit3A_33, %sign3A_42 : i32
    %sign3A_44 = arith.extui %sign3A_43 : i1 to i32
    %sign3A_45 = arith.constant 0 : i32
    %sign3A_46 = arith.cmpi slt, %jit3A_33, %sign3A_45 : i32
    %sign3A_47 = arith.extui %sign3A_46 : i1 to i32
    %sign3A_48 = arith.subi %sign3A_44, %sign3A_47 : i32
    %ne3A_49 = arith.cmpi ne, %sign3A_41, %sign3A_48 : i32
    %rem3A_50 = arith.remsi %select_n3A, %jit3A_33 : i32
    %ne3A_51 = arith.constant 0 : i32
    %ne3A_52 = arith.cmpi ne, %rem3A_50, %ne3A_51 : i32
    %and3A_53 = arith.andi %ne3A_49, %ne3A_52 : i1
    %sub3A_54 = arith.constant 1 : i32
    %sub3A_55 = arith.subi %div3A_34, %sub3A_54 : i32
    %select_n3A_56 = arith.select %and3A_53, %sub3A_55, %div3A_34 : i32
    %jit3A_57 = arith.constant 2 : i32
    %eq3A_58 = arith.constant 0 : i32
    %eq3A_59 = arith.cmpi eq, %jit3A_57, %eq3A_58 : i32
    %jit3A_60 = arith.constant 1 : i32
    %select_n3A_61 = arith.select %eq3A_59, %jit3A_60, %jit3A_57 : i32
    %rem3A_62 = arith.remsi %select_n3A, %select_n3A_61 : i32
    %ne3A_63 = arith.constant 0 : i32
    %ne3A_64 = arith.cmpi ne, %rem3A_62, %ne3A_63 : i32
    %lt3A_65 = arith.constant 0 : i32
    %lt3A_66 = arith.cmpi slt, %rem3A_62, %lt3A_65 : i32
    %lt3A_67 = arith.constant 0 : i32
    %lt3A_68 = arith.cmpi slt, %select_n3A_61, %lt3A_67 : i32
    %ne3A_69 = arith.xori %lt3A_66, %lt3A_68 : i1
    %and3A_70 = arith.andi %ne3A_69, %ne3A_64 : i1
    %add3A_71 = arith.addi %rem3A_62, %select_n3A_61 : i32
    %select_n3A_72 = arith.select %and3A_70, %add3A_71, %rem3A_62 : i32
    "tpu.region"() ({
      %run_scoped3A = tpu.sem_alloc : memref<!tpu.dma_semaphore, #tpu.memory_space<semaphore_mem>>
      %dma_start3A = arith.constant 0 : i32
      %dma_start3A_77 = arith.constant 0 : i32
      %dma_start3A_78 = tpu.memref_slice %arg3[%add3A, %dma_start3A, %dma_start3A_77] : memref<32x24x128xi32, #tpu.memory_space<hbm>> -> memref<1x24x128xi32, #tpu.memory_space<hbm>>
      %dma_start3A_79 = tpu.memref_squeeze %dma_start3A_78 : memref<1x24x128xi32, #tpu.memory_space<hbm>> -> memref<24x128xi32, #tpu.memory_space<hbm>>
      %dma_start3A_80 = arith.constant 0 : i32
      %dma_start3A_81 = arith.constant 0 : i32
      %dma_start3A_82 = tpu.memref_slice %arg3[%add3A, %dma_start3A_80, %dma_start3A_81] : memref<32x24x128xi32, #tpu.memory_space<hbm>> -> memref<1x24x128xi32, #tpu.memory_space<hbm>>
      %dma_start3A_83 = tpu.memref_squeeze %dma_start3A_82 : memref<1x24x128xi32, #tpu.memory_space<hbm>> -> memref<24x128xi32, #tpu.memory_space<hbm>>
      tpu.enqueue_dma source(%dma_start3A_83 : memref<24x128xi32, #tpu.memory_space<hbm>>) target(%arg5 : memref<24x128xi32, #tpu.memory_space<vmem>>) target_semaphore(%run_scoped3A : memref<!tpu.dma_semaphore, #tpu.memory_space<semaphore_mem>>)
      %dma_wait3A = arith.constant 0 : i32
      %dma_wait3A_84 = arith.constant 0 : i32
      %dma_wait3A_85 = tpu.memref_slice %arg3[%add3A, %dma_wait3A, %dma_wait3A_84] : memref<32x24x128xi32, #tpu.memory_space<hbm>> -> memref<1x24x128xi32, #tpu.memory_space<hbm>>
      %dma_wait3A_86 = tpu.memref_squeeze %dma_wait3A_85 : memref<1x24x128xi32, #tpu.memory_space<hbm>> -> memref<24x128xi32, #tpu.memory_space<hbm>>
      %dma_wait3A_87 = arith.constant 0 : i32
      %dma_wait3A_88 = arith.constant 0 : i32
      %dma_wait3A_89 = tpu.memref_slice %arg3[%add3A, %dma_wait3A_87, %dma_wait3A_88] : memref<32x24x128xi32, #tpu.memory_space<hbm>> -> memref<1x24x128xi32, #tpu.memory_space<hbm>>
      %dma_wait3A_90 = tpu.memref_squeeze %dma_wait3A_89 : memref<1x24x128xi32, #tpu.memory_space<hbm>> -> memref<24x128xi32, #tpu.memory_space<hbm>>
      tpu.wait_dma2 semaphore(%run_scoped3A : memref<!tpu.dma_semaphore, #tpu.memory_space<semaphore_mem>>) src(%dma_wait3A_90 : memref<24x128xi32, #tpu.memory_space<hbm>>) dst(%arg5 : memref<24x128xi32, #tpu.memory_space<vmem>>)
      tpu.yield
    }) : () -> ()
    %scan3A = arith.constant 0 : i32
    %scan3A_73 = arith.constant 3 : i32
    %scan3A_74 = arith.addi %scan3A, %scan3A_73 : i32
    %scan3A_75 = arith.constant 1 : i32
    scf.for %scan3A_77 = %scan3A to %scan3A_74 step %scan3A_75  : i32 {
      %mul3A_78 = arith.constant 8 : i32
      %mul3A_79 = arith.muli %scan3A_77, %mul3A_78 : i32
      %add3A_80 = arith.constant 0 : i32
      %add3A_81 = arith.addi %mul3A_79, %add3A_80 : i32
      %dma_start3A = arith.constant 0 : i32
      %dma_start3A_82 = arith.constant 0 : i32
      %dma_start3A_83 = tpu.memref_slice %arg6[%dma_start3A, %dma_start3A_82] : memref<1024x64xf32, #tpu.memory_space<vmem>> -> memref<128x64xf32, #tpu.memory_space<vmem>>
      %dma_start3A_84 = arith.constant 0 : i32
      %dma_start3A_85 = tpu.memref_slice %arg5[%add3A_81, %dma_start3A_84] : memref<24x128xi32, #tpu.memory_space<vmem>> -> memref<1x128xi32, #tpu.memory_space<vmem>>
      %dma_start3A_86 = tpu.memref_squeeze %dma_start3A_85 : memref<1x128xi32, #tpu.memory_space<vmem>> -> memref<128xi32, #tpu.memory_space<vmem>>
      %dma_start3A_87 = arith.constant 0 : i32
      %dma_start3A_88 = arith.constant 0 : i32
      %dma_start3A_89 = tpu.memref_slice %arg2[%dma_start3A_87, %dma_start3A_88] : memref<393216x64xf32, #tpu.memory_space<hbm>> -> memref<393216x64xf32, #tpu.memory_space<hbm>>
      tpu.enqueue_indirect_dma source(%dma_start3A_89 : memref<393216x64xf32, #tpu.memory_space<hbm>>) target(%dma_start3A_83 : memref<128x64xf32, #tpu.memory_space<vmem>>) offsets(%dma_start3A_86 : memref<128xi32, #tpu.memory_space<vmem>>) semaphore(%arg7 : memref<!tpu.dma_semaphore, #tpu.memory_space<semaphore_mem>>)
      %mul3A_90 = arith.constant 8 : i32
      %mul3A_91 = arith.muli %scan3A_77, %mul3A_90 : i32
      %add3A_92 = arith.constant 1 : i32
      %add3A_93 = arith.addi %mul3A_91, %add3A_92 : i32
      %dma_start3A_94 = arith.constant 128 : i32
      %dma_start3A_95 = arith.constant 0 : i32
      %dma_start3A_96 = tpu.memref_slice %arg6[%dma_start3A_94, %dma_start3A_95] : memref<1024x64xf32, #tpu.memory_space<vmem>> -> memref<128x64xf32, #tpu.memory_space<vmem>>
      %dma_start3A_97 = arith.constant 0 : i32
      %dma_start3A_98 = tpu.memref_slice %arg5[%add3A_93, %dma_start3A_97] : memref<24x128xi32, #tpu.memory_space<vmem>> -> memref<1x128xi32, #tpu.memory_space<vmem>>
      %dma_start3A_99 = tpu.memref_squeeze %dma_start3A_98 : memref<1x128xi32, #tpu.memory_space<vmem>> -> memref<128xi32, #tpu.memory_space<vmem>>
      %dma_start3A_100 = arith.constant 0 : i32
      %dma_start3A_101 = arith.constant 0 : i32
      %dma_start3A_102 = tpu.memref_slice %arg2[%dma_start3A_100, %dma_start3A_101] : memref<393216x64xf32, #tpu.memory_space<hbm>> -> memref<393216x64xf32, #tpu.memory_space<hbm>>
      tpu.enqueue_indirect_dma source(%dma_start3A_102 : memref<393216x64xf32, #tpu.memory_space<hbm>>) target(%dma_start3A_96 : memref<128x64xf32, #tpu.memory_space<vmem>>) offsets(%dma_start3A_99 : memref<128xi32, #tpu.memory_space<vmem>>) semaphore(%arg7 : memref<!tpu.dma_semaphore, #tpu.memory_space<semaphore_mem>>)
      %mul3A_103 = arith.constant 8 : i32
      %mul3A_104 = arith.muli %scan3A_77, %mul3A_103 : i32
      %add3A_105 = arith.constant 2 : i32
      %add3A_106 = arith.addi %mul3A_104, %add3A_105 : i32
      %dma_start3A_107 = arith.constant 256 : i32
      %dma_start3A_108 = arith.constant 0 : i32
      %dma_start3A_109 = tpu.memref_slice %arg6[%dma_start3A_107, %dma_start3A_108] : memref<1024x64xf32, #tpu.memory_space<vmem>> -> memref<128x64xf32, #tpu.memory_space<vmem>>
      %dma_start3A_110 = arith.constant 0 : i32
      %dma_start3A_111 = tpu.memref_slice %arg5[%add3A_106, %dma_start3A_110] : memref<24x128xi32, #tpu.memory_space<vmem>> -> memref<1x128xi32, #tpu.memory_space<vmem>>
      %dma_start3A_112 = tpu.memref_squeeze %dma_start3A_111 : memref<1x128xi32, #tpu.memory_space<vmem>> -> memref<128xi32, #tpu.memory_space<vmem>>
      %dma_start3A_113 = arith.constant 0 : i32
      %dma_start3A_114 = arith.constant 0 : i32
      %dma_start3A_115 = tpu.memref_slice %arg2[%dma_start3A_113, %dma_start3A_114] : memref<393216x64xf32, #tpu.memory_space<hbm>> -> memref<393216x64xf32, #tpu.memory_space<hbm>>
      tpu.enqueue_indirect_dma source(%dma_start3A_115 : memref<393216x64xf32, #tpu.memory_space<hbm>>) target(%dma_start3A_109 : memref<128x64xf32, #tpu.memory_space<vmem>>) offsets(%dma_start3A_112 : memref<128xi32, #tpu.memory_space<vmem>>) semaphore(%arg7 : memref<!tpu.dma_semaphore, #tpu.memory_space<semaphore_mem>>)
      %mul3A_116 = arith.constant 8 : i32
      %mul3A_117 = arith.muli %scan3A_77, %mul3A_116 : i32
      %add3A_118 = arith.constant 3 : i32
      %add3A_119 = arith.addi %mul3A_117, %add3A_118 : i32
      %dma_start3A_120 = arith.constant 384 : i32
      %dma_start3A_121 = arith.constant 0 : i32
      %dma_start3A_122 = tpu.memref_slice %arg6[%dma_start3A_120, %dma_start3A_121] : memref<1024x64xf32, #tpu.memory_space<vmem>> -> memref<128x64xf32, #tpu.memory_space<vmem>>
      %dma_start3A_123 = arith.constant 0 : i32
      %dma_start3A_124 = tpu.memref_slice %arg5[%add3A_119, %dma_start3A_123] : memref<24x128xi32, #tpu.memory_space<vmem>> -> memref<1x128xi32, #tpu.memory_space<vmem>>
      %dma_start3A_125 = tpu.memref_squeeze %dma_start3A_124 : memref<1x128xi32, #tpu.memory_space<vmem>> -> memref<128xi32, #tpu.memory_space<vmem>>
      %dma_start3A_126 = arith.constant 0 : i32
      %dma_start3A_127 = arith.constant 0 : i32
      %dma_start3A_128 = tpu.memref_slice %arg2[%dma_start3A_126, %dma_start3A_127] : memref<393216x64xf32, #tpu.memory_space<hbm>> -> memref<393216x64xf32, #tpu.memory_space<hbm>>
      tpu.enqueue_indirect_dma source(%dma_start3A_128 : memref<393216x64xf32, #tpu.memory_space<hbm>>) target(%dma_start3A_122 : memref<128x64xf32, #tpu.memory_space<vmem>>) offsets(%dma_start3A_125 : memref<128xi32, #tpu.memory_space<vmem>>) semaphore(%arg7 : memref<!tpu.dma_semaphore, #tpu.memory_space<semaphore_mem>>)
      %mul3A_129 = arith.constant 8 : i32
      %mul3A_130 = arith.muli %scan3A_77, %mul3A_129 : i32
      %add3A_131 = arith.constant 4 : i32
      %add3A_132 = arith.addi %mul3A_130, %add3A_131 : i32
      %dma_start3A_133 = arith.constant 512 : i32
      %dma_start3A_134 = arith.constant 0 : i32
      %dma_start3A_135 = tpu.memref_slice %arg6[%dma_start3A_133, %dma_start3A_134] : memref<1024x64xf32, #tpu.memory_space<vmem>> -> memref<128x64xf32, #tpu.memory_space<vmem>>
      %dma_start3A_136 = arith.constant 0 : i32
      %dma_start3A_137 = tpu.memref_slice %arg5[%add3A_132, %dma_start3A_136] : memref<24x128xi32, #tpu.memory_space<vmem>> -> memref<1x128xi32, #tpu.memory_space<vmem>>
      %dma_start3A_138 = tpu.memref_squeeze %dma_start3A_137 : memref<1x128xi32, #tpu.memory_space<vmem>> -> memref<128xi32, #tpu.memory_space<vmem>>
      %dma_start3A_139 = arith.constant 0 : i32
      %dma_start3A_140 = arith.constant 0 : i32
      %dma_start3A_141 = tpu.memref_slice %arg2[%dma_start3A_139, %dma_start3A_140] : memref<393216x64xf32, #tpu.memory_space<hbm>> -> memref<393216x64xf32, #tpu.memory_space<hbm>>
      tpu.enqueue_indirect_dma source(%dma_start3A_141 : memref<393216x64xf32, #tpu.memory_space<hbm>>) target(%dma_start3A_135 : memref<128x64xf32, #tpu.memory_space<vmem>>) offsets(%dma_start3A_138 : memref<128xi32, #tpu.memory_space<vmem>>) semaphore(%arg7 : memref<!tpu.dma_semaphore, #tpu.memory_space<semaphore_mem>>)
      %mul3A_142 = arith.constant 8 : i32
      %mul3A_143 = arith.muli %scan3A_77, %mul3A_142 : i32
      %add3A_144 = arith.constant 5 : i32
      %add3A_145 = arith.addi %mul3A_143, %add3A_144 : i32
      %dma_start3A_146 = arith.constant 640 : i32
      %dma_start3A_147 = arith.constant 0 : i32
      %dma_start3A_148 = tpu.memref_slice %arg6[%dma_start3A_146, %dma_start3A_147] : memref<1024x64xf32, #tpu.memory_space<vmem>> -> memref<128x64xf32, #tpu.memory_space<vmem>>
      %dma_start3A_149 = arith.constant 0 : i32
      %dma_start3A_150 = tpu.memref_slice %arg5[%add3A_145, %dma_start3A_149] : memref<24x128xi32, #tpu.memory_space<vmem>> -> memref<1x128xi32, #tpu.memory_space<vmem>>
      %dma_start3A_151 = tpu.memref_squeeze %dma_start3A_150 : memref<1x128xi32, #tpu.memory_space<vmem>> -> memref<128xi32, #tpu.memory_space<vmem>>
      %dma_start3A_152 = arith.constant 0 : i32
      %dma_start3A_153 = arith.constant 0 : i32
      %dma_start3A_154 = tpu.memref_slice %arg2[%dma_start3A_152, %dma_start3A_153] : memref<393216x64xf32, #tpu.memory_space<hbm>> -> memref<393216x64xf32, #tpu.memory_space<hbm>>
      tpu.enqueue_indirect_dma source(%dma_start3A_154 : memref<393216x64xf32, #tpu.memory_space<hbm>>) target(%dma_start3A_148 : memref<128x64xf32, #tpu.memory_space<vmem>>) offsets(%dma_start3A_151 : memref<128xi32, #tpu.memory_space<vmem>>) semaphore(%arg7 : memref<!tpu.dma_semaphore, #tpu.memory_space<semaphore_mem>>)
      %mul3A_155 = arith.constant 8 : i32
      %mul3A_156 = arith.muli %scan3A_77, %mul3A_155 : i32
      %add3A_157 = arith.constant 6 : i32
      %add3A_158 = arith.addi %mul3A_156, %add3A_157 : i32
      %dma_start3A_159 = arith.constant 768 : i32
      %dma_start3A_160 = arith.constant 0 : i32
      %dma_start3A_161 = tpu.memref_slice %arg6[%dma_start3A_159, %dma_start3A_160] : memref<1024x64xf32, #tpu.memory_space<vmem>> -> memref<128x64xf32, #tpu.memory_space<vmem>>
      %dma_start3A_162 = arith.constant 0 : i32
      %dma_start3A_163 = tpu.memref_slice %arg5[%add3A_158, %dma_start3A_162] : memref<24x128xi32, #tpu.memory_space<vmem>> -> memref<1x128xi32, #tpu.memory_space<vmem>>
      %dma_start3A_164 = tpu.memref_squeeze %dma_start3A_163 : memref<1x128xi32, #tpu.memory_space<vmem>> -> memref<128xi32, #tpu.memory_space<vmem>>
      %dma_start3A_165 = arith.constant 0 : i32
      %dma_start3A_166 = arith.constant 0 : i32
      %dma_start3A_167 = tpu.memref_slice %arg2[%dma_start3A_165, %dma_start3A_166] : memref<393216x64xf32, #tpu.memory_space<hbm>> -> memref<393216x64xf32, #tpu.memory_space<hbm>>
      tpu.enqueue_indirect_dma source(%dma_start3A_167 : memref<393216x64xf32, #tpu.memory_space<hbm>>) target(%dma_start3A_161 : memref<128x64xf32, #tpu.memory_space<vmem>>) offsets(%dma_start3A_164 : memref<128xi32, #tpu.memory_space<vmem>>) semaphore(%arg7 : memref<!tpu.dma_semaphore, #tpu.memory_space<semaphore_mem>>)
      %mul3A_168 = arith.constant 8 : i32
      %mul3A_169 = arith.muli %scan3A_77, %mul3A_168 : i32
      %add3A_170 = arith.constant 7 : i32
      %add3A_171 = arith.addi %mul3A_169, %add3A_170 : i32
      %dma_start3A_172 = arith.constant 896 : i32
      %dma_start3A_173 = arith.constant 0 : i32
      %dma_start3A_174 = tpu.memref_slice %arg6[%dma_start3A_172, %dma_start3A_173] : memref<1024x64xf32, #tpu.memory_space<vmem>> -> memref<128x64xf32, #tpu.memory_space<vmem>>
      %dma_start3A_175 = arith.constant 0 : i32
      %dma_start3A_176 = tpu.memref_slice %arg5[%add3A_171, %dma_start3A_175] : memref<24x128xi32, #tpu.memory_space<vmem>> -> memref<1x128xi32, #tpu.memory_space<vmem>>
      %dma_start3A_177 = tpu.memref_squeeze %dma_start3A_176 : memref<1x128xi32, #tpu.memory_space<vmem>> -> memref<128xi32, #tpu.memory_space<vmem>>
      %dma_start3A_178 = arith.constant 0 : i32
      %dma_start3A_179 = arith.constant 0 : i32
      %dma_start3A_180 = tpu.memref_slice %arg2[%dma_start3A_178, %dma_start3A_179] : memref<393216x64xf32, #tpu.memory_space<hbm>> -> memref<393216x64xf32, #tpu.memory_space<hbm>>
      tpu.enqueue_indirect_dma source(%dma_start3A_180 : memref<393216x64xf32, #tpu.memory_space<hbm>>) target(%dma_start3A_174 : memref<128x64xf32, #tpu.memory_space<vmem>>) offsets(%dma_start3A_177 : memref<128xi32, #tpu.memory_space<vmem>>) semaphore(%arg7 : memref<!tpu.dma_semaphore, #tpu.memory_space<semaphore_mem>>)
      %dma_wait3A = arith.constant 0 : i32
      %dma_wait3A_181 = arith.constant 0 : i32
      %dma_wait3A_182 = tpu.memref_slice %arg6[%dma_wait3A, %dma_wait3A_181] : memref<1024x64xf32, #tpu.memory_space<vmem>> -> memref<128x64xf32, #tpu.memory_space<vmem>>
      %dma_wait3A_183 = arith.constant 0 : i32
      %dma_wait3A_184 = tpu.memref_slice %arg5[%add3A_81, %dma_wait3A_183] : memref<24x128xi32, #tpu.memory_space<vmem>> -> memref<1x128xi32, #tpu.memory_space<vmem>>
      %dma_wait3A_185 = tpu.memref_squeeze %dma_wait3A_184 : memref<1x128xi32, #tpu.memory_space<vmem>> -> memref<128xi32, #tpu.memory_space<vmem>>
      %dma_wait3A_186 = arith.constant 0 : i32
      %dma_wait3A_187 = arith.constant 0 : i32
      %dma_wait3A_188 = tpu.memref_slice %arg2[%dma_wait3A_186, %dma_wait3A_187] : memref<393216x64xf32, #tpu.memory_space<hbm>> -> memref<393216x64xf32, #tpu.memory_space<hbm>>
      tpu.wait_indirect_dma semaphore(%arg7 : memref<!tpu.dma_semaphore, #tpu.memory_space<semaphore_mem>>) src(%dma_wait3A_188 : memref<393216x64xf32, #tpu.memory_space<hbm>>) dst(%dma_wait3A_182 : memref<128x64xf32, #tpu.memory_space<vmem>>)
      %dma_wait3A_189 = arith.constant 128 : i32
      %dma_wait3A_190 = arith.constant 0 : i32
      %dma_wait3A_191 = tpu.memref_slice %arg6[%dma_wait3A_189, %dma_wait3A_190] : memref<1024x64xf32, #tpu.memory_space<vmem>> -> memref<128x64xf32, #tpu.memory_space<vmem>>
      %dma_wait3A_192 = arith.constant 0 : i32
      %dma_wait3A_193 = tpu.memref_slice %arg5[%add3A_93, %dma_wait3A_192] : memref<24x128xi32, #tpu.memory_space<vmem>> -> memref<1x128xi32, #tpu.memory_space<vmem>>
      %dma_wait3A_194 = tpu.memref_squeeze %dma_wait3A_193 : memref<1x128xi32, #tpu.memory_space<vmem>> -> memref<128xi32, #tpu.memory_space<vmem>>
      %dma_wait3A_195 = arith.constant 0 : i32
      %dma_wait3A_196 = arith.constant 0 : i32
      %dma_wait3A_197 = tpu.memref_slice %arg2[%dma_wait3A_195, %dma_wait3A_196] : memref<393216x64xf32, #tpu.memory_space<hbm>> -> memref<393216x64xf32, #tpu.memory_space<hbm>>
      tpu.wait_indirect_dma semaphore(%arg7 : memref<!tpu.dma_semaphore, #tpu.memory_space<semaphore_mem>>) src(%dma_wait3A_197 : memref<393216x64xf32, #tpu.memory_space<hbm>>) dst(%dma_wait3A_191 : memref<128x64xf32, #tpu.memory_space<vmem>>)
      %dma_wait3A_198 = arith.constant 256 : i32
      %dma_wait3A_199 = arith.constant 0 : i32
      %dma_wait3A_200 = tpu.memref_slice %arg6[%dma_wait3A_198, %dma_wait3A_199] : memref<1024x64xf32, #tpu.memory_space<vmem>> -> memref<128x64xf32, #tpu.memory_space<vmem>>
      %dma_wait3A_201 = arith.constant 0 : i32
      %dma_wait3A_202 = tpu.memref_slice %arg5[%add3A_106, %dma_wait3A_201] : memref<24x128xi32, #tpu.memory_space<vmem>> -> memref<1x128xi32, #tpu.memory_space<vmem>>
      %dma_wait3A_203 = tpu.memref_squeeze %dma_wait3A_202 : memref<1x128xi32, #tpu.memory_space<vmem>> -> memref<128xi32, #tpu.memory_space<vmem>>
      %dma_wait3A_204 = arith.constant 0 : i32
      %dma_wait3A_205 = arith.constant 0 : i32
      %dma_wait3A_206 = tpu.memref_slice %arg2[%dma_wait3A_204, %dma_wait3A_205] : memref<393216x64xf32, #tpu.memory_space<hbm>> -> memref<393216x64xf32, #tpu.memory_space<hbm>>
      tpu.wait_indirect_dma semaphore(%arg7 : memref<!tpu.dma_semaphore, #tpu.memory_space<semaphore_mem>>) src(%dma_wait3A_206 : memref<393216x64xf32, #tpu.memory_space<hbm>>) dst(%dma_wait3A_200 : memref<128x64xf32, #tpu.memory_space<vmem>>)
      %dma_wait3A_207 = arith.constant 384 : i32
      %dma_wait3A_208 = arith.constant 0 : i32
      %dma_wait3A_209 = tpu.memref_slice %arg6[%dma_wait3A_207, %dma_wait3A_208] : memref<1024x64xf32, #tpu.memory_space<vmem>> -> memref<128x64xf32, #tpu.memory_space<vmem>>
      %dma_wait3A_210 = arith.constant 0 : i32
      %dma_wait3A_211 = tpu.memref_slice %arg5[%add3A_119, %dma_wait3A_210] : memref<24x128xi32, #tpu.memory_space<vmem>> -> memref<1x128xi32, #tpu.memory_space<vmem>>
      %dma_wait3A_212 = tpu.memref_squeeze %dma_wait3A_211 : memref<1x128xi32, #tpu.memory_space<vmem>> -> memref<128xi32, #tpu.memory_space<vmem>>
      %dma_wait3A_213 = arith.constant 0 : i32
      %dma_wait3A_214 = arith.constant 0 : i32
      %dma_wait3A_215 = tpu.memref_slice %arg2[%dma_wait3A_213, %dma_wait3A_214] : memref<393216x64xf32, #tpu.memory_space<hbm>> -> memref<393216x64xf32, #tpu.memory_space<hbm>>
      tpu.wait_indirect_dma semaphore(%arg7 : memref<!tpu.dma_semaphore, #tpu.memory_space<semaphore_mem>>) src(%dma_wait3A_215 : memref<393216x64xf32, #tpu.memory_space<hbm>>) dst(%dma_wait3A_209 : memref<128x64xf32, #tpu.memory_space<vmem>>)
      %dma_wait3A_216 = arith.constant 512 : i32
      %dma_wait3A_217 = arith.constant 0 : i32
      %dma_wait3A_218 = tpu.memref_slice %arg6[%dma_wait3A_216, %dma_wait3A_217] : memref<1024x64xf32, #tpu.memory_space<vmem>> -> memref<128x64xf32, #tpu.memory_space<vmem>>
      %dma_wait3A_219 = arith.constant 0 : i32
      %dma_wait3A_220 = tpu.memref_slice %arg5[%add3A_132, %dma_wait3A_219] : memref<24x128xi32, #tpu.memory_space<vmem>> -> memref<1x128xi32, #tpu.memory_space<vmem>>
      %dma_wait3A_221 = tpu.memref_squeeze %dma_wait3A_220 : memref<1x128xi32, #tpu.memory_space<vmem>> -> memref<128xi32, #tpu.memory_space<vmem>>
      %dma_wait3A_222 = arith.constant 0 : i32
      %dma_wait3A_223 = arith.constant 0 : i32
      %dma_wait3A_224 = tpu.memref_slice %arg2[%dma_wait3A_222, %dma_wait3A_223] : memref<393216x64xf32, #tpu.memory_space<hbm>> -> memref<393216x64xf32, #tpu.memory_space<hbm>>
      tpu.wait_indirect_dma semaphore(%arg7 : memref<!tpu.dma_semaphore, #tpu.memory_space<semaphore_mem>>) src(%dma_wait3A_224 : memref<393216x64xf32, #tpu.memory_space<hbm>>) dst(%dma_wait3A_218 : memref<128x64xf32, #tpu.memory_space<vmem>>)
      %dma_wait3A_225 = arith.constant 640 : i32
      %dma_wait3A_226 = arith.constant 0 : i32
      %dma_wait3A_227 = tpu.memref_slice %arg6[%dma_wait3A_225, %dma_wait3A_226] : memref<1024x64xf32, #tpu.memory_space<vmem>> -> memref<128x64xf32, #tpu.memory_space<vmem>>
      %dma_wait3A_228 = arith.constant 0 : i32
      %dma_wait3A_229 = tpu.memref_slice %arg5[%add3A_145, %dma_wait3A_228] : memref<24x128xi32, #tpu.memory_space<vmem>> -> memref<1x128xi32, #tpu.memory_space<vmem>>
      %dma_wait3A_230 = tpu.memref_squeeze %dma_wait3A_229 : memref<1x128xi32, #tpu.memory_space<vmem>> -> memref<128xi32, #tpu.memory_space<vmem>>
      %dma_wait3A_231 = arith.constant 0 : i32
      %dma_wait3A_232 = arith.constant 0 : i32
      %dma_wait3A_233 = tpu.memref_slice %arg2[%dma_wait3A_231, %dma_wait3A_232] : memref<393216x64xf32, #tpu.memory_space<hbm>> -> memref<393216x64xf32, #tpu.memory_space<hbm>>
      tpu.wait_indirect_dma semaphore(%arg7 : memref<!tpu.dma_semaphore, #tpu.memory_space<semaphore_mem>>) src(%dma_wait3A_233 : memref<393216x64xf32, #tpu.memory_space<hbm>>) dst(%dma_wait3A_227 : memref<128x64xf32, #tpu.memory_space<vmem>>)
      %dma_wait3A_234 = arith.constant 768 : i32
      %dma_wait3A_235 = arith.constant 0 : i32
      %dma_wait3A_236 = tpu.memref_slice %arg6[%dma_wait3A_234, %dma_wait3A_235] : memref<1024x64xf32, #tpu.memory_space<vmem>> -> memref<128x64xf32, #tpu.memory_space<vmem>>
      %dma_wait3A_237 = arith.constant 0 : i32
      %dma_wait3A_238 = tpu.memref_slice %arg5[%add3A_158, %dma_wait3A_237] : memref<24x128xi32, #tpu.memory_space<vmem>> -> memref<1x128xi32, #tpu.memory_space<vmem>>
      %dma_wait3A_239 = tpu.memref_squeeze %dma_wait3A_238 : memref<1x128xi32, #tpu.memory_space<vmem>> -> memref<128xi32, #tpu.memory_space<vmem>>
      %dma_wait3A_240 = arith.constant 0 : i32
      %dma_wait3A_241 = arith.constant 0 : i32
      %dma_wait3A_242 = tpu.memref_slice %arg2[%dma_wait3A_240, %dma_wait3A_241] : memref<393216x64xf32, #tpu.memory_space<hbm>> -> memref<393216x64xf32, #tpu.memory_space<hbm>>
      tpu.wait_indirect_dma semaphore(%arg7 : memref<!tpu.dma_semaphore, #tpu.memory_space<semaphore_mem>>) src(%dma_wait3A_242 : memref<393216x64xf32, #tpu.memory_space<hbm>>) dst(%dma_wait3A_236 : memref<128x64xf32, #tpu.memory_space<vmem>>)
      %dma_wait3A_243 = arith.constant 896 : i32
      %dma_wait3A_244 = arith.constant 0 : i32
      %dma_wait3A_245 = tpu.memref_slice %arg6[%dma_wait3A_243, %dma_wait3A_244] : memref<1024x64xf32, #tpu.memory_space<vmem>> -> memref<128x64xf32, #tpu.memory_space<vmem>>
      %dma_wait3A_246 = arith.constant 0 : i32
      %dma_wait3A_247 = tpu.memref_slice %arg5[%add3A_171, %dma_wait3A_246] : memref<24x128xi32, #tpu.memory_space<vmem>> -> memref<1x128xi32, #tpu.memory_space<vmem>>
      %dma_wait3A_248 = tpu.memref_squeeze %dma_wait3A_247 : memref<1x128xi32, #tpu.memory_space<vmem>> -> memref<128xi32, #tpu.memory_space<vmem>>
      %dma_wait3A_249 = arith.constant 0 : i32
      %dma_wait3A_250 = arith.constant 0 : i32
      %dma_wait3A_251 = tpu.memref_slice %arg2[%dma_wait3A_249, %dma_wait3A_250] : memref<393216x64xf32, #tpu.memory_space<hbm>> -> memref<393216x64xf32, #tpu.memory_space<hbm>>
      tpu.wait_indirect_dma semaphore(%arg7 : memref<!tpu.dma_semaphore, #tpu.memory_space<semaphore_mem>>) src(%dma_wait3A_251 : memref<393216x64xf32, #tpu.memory_space<hbm>>) dst(%dma_wait3A_245 : memref<128x64xf32, #tpu.memory_space<vmem>>)
      %mul3A_252 = arith.constant 1024 : i32
      %mul3A_253 = arith.muli %scan3A_77, %mul3A_252 : i32
      %add3A_254 = arith.addi %mul3A_32, %mul3A_253 : i32
      %mul3A_255 = arith.constant 64 : i32
      %mul3A_256 = arith.muli %select_n3A_72, %mul3A_255 : i32
      "tpu.region"() ({
        %run_scoped3A = tpu.sem_alloc : memref<!tpu.dma_semaphore, #tpu.memory_space<semaphore_mem>>
        %dma_start3A_257 = tpu.memref_slice %arg4[%select_n3A_56, %add3A_254, %mul3A_256] : memref<2x24576x128xf32, #tpu.memory_space<hbm>> -> memref<1x1024x64xf32, #tpu.memory_space<hbm>>
        %dma_start3A_258 = tpu.memref_squeeze %dma_start3A_257 : memref<1x1024x64xf32, #tpu.memory_space<hbm>> -> memref<1024x64xf32, #tpu.memory_space<hbm>>
        %dma_start3A_259 = tpu.memref_slice %arg4[%select_n3A_56, %add3A_254, %mul3A_256] : memref<2x24576x128xf32, #tpu.memory_space<hbm>> -> memref<1x1024x64xf32, #tpu.memory_space<hbm>>
        %dma_start3A_260 = tpu.memref_squeeze %dma_start3A_259 : memref<1x1024x64xf32, #tpu.memory_space<hbm>> -> memref<1024x64xf32, #tpu.memory_space<hbm>>
        tpu.enqueue_dma source(%arg6 : memref<1024x64xf32, #tpu.memory_space<vmem>>) target(%dma_start3A_260 : memref<1024x64xf32, #tpu.memory_space<hbm>>) target_semaphore(%run_scoped3A : memref<!tpu.dma_semaphore, #tpu.memory_space<semaphore_mem>>)
        %dma_wait3A_261 = tpu.memref_slice %arg4[%select_n3A_56, %add3A_254, %mul3A_256] : memref<2x24576x128xf32, #tpu.memory_space<hbm>> -> memref<1x1024x64xf32, #tpu.memory_space<hbm>>
        %dma_wait3A_262 = tpu.memref_squeeze %dma_wait3A_261 : memref<1x1024x64xf32, #tpu.memory_space<hbm>> -> memref<1024x64xf32, #tpu.memory_space<hbm>>
        %dma_wait3A_263 = tpu.memref_slice %arg4[%select_n3A_56, %add3A_254, %mul3A_256] : memref<2x24576x128xf32, #tpu.memory_space<hbm>> -> memref<1x1024x64xf32, #tpu.memory_space<hbm>>
        %dma_wait3A_264 = tpu.memref_squeeze %dma_wait3A_263 : memref<1x1024x64xf32, #tpu.memory_space<hbm>> -> memref<1024x64xf32, #tpu.memory_space<hbm>>
        tpu.wait_dma2 semaphore(%run_scoped3A : memref<!tpu.dma_semaphore, #tpu.memory_space<semaphore_mem>>) src(%arg6 : memref<1024x64xf32, #tpu.memory_space<vmem>>) dst(%dma_wait3A_264 : memref<1024x64xf32, #tpu.memory_space<hbm>>)
        tpu.yield
      }) : () -> ()
    }
    %scan3A_76 = arith.constant 3 : i32
    return
  }
}

#map = affine_map<(d0, d1) -> (0, 0)>
#map1 = affine_map<(d0, d1) -> (0, 0, 0)>
module attributes {stable_mosaic.version = 14 : i64} {
  func.func @gather_kernel(%arg0: i32, %arg1: i32, %arg2: memref<393216x64xf32, #tpu.memory_space<hbm>>, %arg3: memref<32x24x128xi32, #tpu.memory_space<hbm>>, %arg4: memref<2x24576x128xf32, #tpu.memory_space<hbm>>, %arg5: memref<24x128xi32, #tpu.memory_space<vmem>>, %arg6: memref<1024x64xf32, #tpu.memory_space<vmem>>, %arg7: memref<!tpu.dma_semaphore, #tpu.memory_space<semaphore_mem>>) attributes {dimension_semantics = [#tpu.dimension_semantics<core_parallel>, #tpu.dimension_semantics<subcore_parallel>], iteration_bounds = array<i64: 2, 16>, scalar_prefetch = 0 : i64, scratch_operands = 3 : i64, tpu.core_type = #tpu.core_type<sc_vector_subcore>, window_params = [{transform_indices = #map}, {transform_indices = #map1}, {transform_indices = #map1}]} {
    %mul3A = arith.constant 2 : i32
    %mul3A_0 = arith.muli %arg1, %mul3A : i32
    %add3A = arith.addi %mul3A_0, %arg0 : i32
    %jit3A = arith.constant 8 : i32
    %div3A = arith.divsi %add3A, %jit3A : i32
    %sign3A = arith.constant 0 : i32
    %sign3A_1 = arith.cmpi sgt, %add3A, %sign3A : i32
    %sign3A_2 = arith.extui %sign3A_1 : i1 to i32
    %sign3A_3 = arith.constant 0 : i32
    %sign3A_4 = arith.cmpi slt, %add3A, %sign3A_3 : i32
    %sign3A_5 = arith.extui %sign3A_4 : i1 to i32
    %sign3A_6 = arith.subi %sign3A_2, %sign3A_5 : i32
    %sign3A_7 = arith.constant 0 : i32
    %sign3A_8 = arith.cmpi sgt, %jit3A, %sign3A_7 : i32
    %sign3A_9 = arith.extui %sign3A_8 : i1 to i32
    %sign3A_10 = arith.constant 0 : i32
    %sign3A_11 = arith.cmpi slt, %jit3A, %sign3A_10 : i32
    %sign3A_12 = arith.extui %sign3A_11 : i1 to i32
    %sign3A_13 = arith.subi %sign3A_9, %sign3A_12 : i32
    %ne3A = arith.cmpi ne, %sign3A_6, %sign3A_13 : i32
    %rem3A = arith.remsi %add3A, %jit3A : i32
    %ne3A_14 = arith.constant 0 : i32
    %ne3A_15 = arith.cmpi ne, %rem3A, %ne3A_14 : i32
    %and3A = arith.andi %ne3A, %ne3A_15 : i1
    %sub3A = arith.constant 1 : i32
    %sub3A_16 = arith.subi %div3A, %sub3A : i32
    %select_n3A = arith.select %and3A, %sub3A_16, %div3A : i32
    %jit3A_17 = arith.constant 8 : i32
    %eq3A = arith.constant 0 : i32
    %eq3A_18 = arith.cmpi eq, %jit3A_17, %eq3A : i32
    %jit3A_19 = arith.constant 1 : i32
    %select_n3A_20 = arith.select %eq3A_18, %jit3A_19, %jit3A_17 : i32
    %rem3A_21 = arith.remsi %add3A, %select_n3A_20 : i32
    %ne3A_22 = arith.constant 0 : i32
    %ne3A_23 = arith.cmpi ne, %rem3A_21, %ne3A_22 : i32
    %lt3A = arith.constant 0 : i32
    %lt3A_24 = arith.cmpi slt, %rem3A_21, %lt3A : i32
    %lt3A_25 = arith.constant 0 : i32
    %lt3A_26 = arith.cmpi slt, %select_n3A_20, %lt3A_25 : i32
    %ne3A_27 = arith.xori %lt3A_24, %lt3A_26 : i1
    %and3A_28 = arith.andi %ne3A_27, %ne3A_23 : i1
    %add3A_29 = arith.addi %rem3A_21, %select_n3A_20 : i32
    %select_n3A_30 = arith.select %and3A_28, %add3A_29, %rem3A_21 : i32
    %mul3A_31 = arith.constant 3072 : i32
    %mul3A_32 = arith.muli %select_n3A_30, %mul3A_31 : i32
    %jit3A_33 = arith.constant 2 : i32
    %div3A_34 = arith.divsi %select_n3A, %jit3A_33 : i32
    %sign3A_35 = arith.constant 0 : i32
    %sign3A_36 = arith.cmpi sgt, %select_n3A, %sign3A_35 : i32
    %sign3A_37 = arith.extui %sign3A_36 : i1 to i32
    %sign3A_38 = arith.constant 0 : i32
    %sign3A_39 = arith.cmpi slt, %select_n3A, %sign3A_38 : i32
    %sign3A_40 = arith.extui %sign3A_39 : i1 to i32
    %sign3A_41 = arith.subi %sign3A_37, %sign3A_40 : i32
    %sign3A_42 = arith.constant 0 : i32
    %sign3A_43 = arith.cmpi sgt, %jit3A_33, %sign3A_42 : i32
    %sign3A_44 = arith.extui %sign3A_43 : i1 to i32
    %sign3A_45 = arith.constant 0 : i32
    %sign3A_46 = arith.cmpi slt, %jit3A_33, %sign3A_45 : i32
    %sign3A_47 = arith.extui %sign3A_46 : i1 to i32
    %sign3A_48 = arith.subi %sign3A_44, %sign3A_47 : i32
    %ne3A_49 = arith.cmpi ne, %sign3A_41, %sign3A_48 : i32
    %rem3A_50 = arith.remsi %select_n3A, %jit3A_33 : i32
    %ne3A_51 = arith.constant 0 : i32
    %ne3A_52 = arith.cmpi ne, %rem3A_50, %ne3A_51 : i32
    %and3A_53 = arith.andi %ne3A_49, %ne3A_52 : i1
    %sub3A_54 = arith.constant 1 : i32
    %sub3A_55 = arith.subi %div3A_34, %sub3A_54 : i32
    %select_n3A_56 = arith.select %and3A_53, %sub3A_55, %div3A_34 : i32
    %jit3A_57 = arith.constant 2 : i32
    %eq3A_58 = arith.constant 0 : i32
    %eq3A_59 = arith.cmpi eq, %jit3A_57, %eq3A_58 : i32
    %jit3A_60 = arith.constant 1 : i32
    %select_n3A_61 = arith.select %eq3A_59, %jit3A_60, %jit3A_57 : i32
    %rem3A_62 = arith.remsi %select_n3A, %select_n3A_61 : i32
    %ne3A_63 = arith.constant 0 : i32
    %ne3A_64 = arith.cmpi ne, %rem3A_62, %ne3A_63 : i32
    %lt3A_65 = arith.constant 0 : i32
    %lt3A_66 = arith.cmpi slt, %rem3A_62, %lt3A_65 : i32
    %lt3A_67 = arith.constant 0 : i32
    %lt3A_68 = arith.cmpi slt, %select_n3A_61, %lt3A_67 : i32
    %ne3A_69 = arith.xori %lt3A_66, %lt3A_68 : i1
    %and3A_70 = arith.andi %ne3A_69, %ne3A_64 : i1
    %add3A_71 = arith.addi %rem3A_62, %select_n3A_61 : i32
    %select_n3A_72 = arith.select %and3A_70, %add3A_71, %rem3A_62 : i32
    "tpu.region"() ({
      %run_scoped3A = tpu.sem_alloc : memref<!tpu.dma_semaphore, #tpu.memory_space<semaphore_mem>>
      %dma_start3A = arith.constant 0 : i32
      %dma_start3A_77 = arith.constant 0 : i32
      %dma_start3A_78 = tpu.memref_slice %arg3[%add3A, %dma_start3A, %dma_start3A_77] : memref<32x24x128xi32, #tpu.memory_space<hbm>> -> memref<1x24x128xi32, #tpu.memory_space<hbm>>
      %dma_start3A_79 = tpu.memref_squeeze %dma_start3A_78 : memref<1x24x128xi32, #tpu.memory_space<hbm>> -> memref<24x128xi32, #tpu.memory_space<hbm>>
      %dma_start3A_80 = arith.constant 0 : i32
      %dma_start3A_81 = arith.constant 0 : i32
      %dma_start3A_82 = tpu.memref_slice %arg3[%add3A, %dma_start3A_80, %dma_start3A_81] : memref<32x24x128xi32, #tpu.memory_space<hbm>> -> memref<1x24x128xi32, #tpu.memory_space<hbm>>
      %dma_start3A_83 = tpu.memref_squeeze %dma_start3A_82 : memref<1x24x128xi32, #tpu.memory_space<hbm>> -> memref<24x128xi32, #tpu.memory_space<hbm>>
      tpu.enqueue_dma source(%dma_start3A_83 : memref<24x128xi32, #tpu.memory_space<hbm>>) target(%arg5 : memref<24x128xi32, #tpu.memory_space<vmem>>) target_semaphore(%run_scoped3A : memref<!tpu.dma_semaphore, #tpu.memory_space<semaphore_mem>>)
      %dma_wait3A = arith.constant 0 : i32
      %dma_wait3A_84 = arith.constant 0 : i32
      %dma_wait3A_85 = tpu.memref_slice %arg3[%add3A, %dma_wait3A, %dma_wait3A_84] : memref<32x24x128xi32, #tpu.memory_space<hbm>> -> memref<1x24x128xi32, #tpu.memory_space<hbm>>
      %dma_wait3A_86 = tpu.memref_squeeze %dma_wait3A_85 : memref<1x24x128xi32, #tpu.memory_space<hbm>> -> memref<24x128xi32, #tpu.memory_space<hbm>>
      %dma_wait3A_87 = arith.constant 0 : i32
      %dma_wait3A_88 = arith.constant 0 : i32
      %dma_wait3A_89 = tpu.memref_slice %arg3[%add3A, %dma_wait3A_87, %dma_wait3A_88] : memref<32x24x128xi32, #tpu.memory_space<hbm>> -> memref<1x24x128xi32, #tpu.memory_space<hbm>>
      %dma_wait3A_90 = tpu.memref_squeeze %dma_wait3A_89 : memref<1x24x128xi32, #tpu.memory_space<hbm>> -> memref<24x128xi32, #tpu.memory_space<hbm>>
      tpu.wait_dma2 semaphore(%run_scoped3A : memref<!tpu.dma_semaphore, #tpu.memory_space<semaphore_mem>>) src(%dma_wait3A_90 : memref<24x128xi32, #tpu.memory_space<hbm>>) dst(%arg5 : memref<24x128xi32, #tpu.memory_space<vmem>>)
      tpu.yield
    }) : () -> ()
    %scan3A = arith.constant 0 : i32
    %scan3A_73 = arith.constant 3 : i32
    %scan3A_74 = arith.addi %scan3A, %scan3A_73 : i32
    %scan3A_75 = arith.constant 1 : i32
    scf.for %scan3A_77 = %scan3A to %scan3A_74 step %scan3A_75  : i32 {
      %mul3A_78 = arith.constant 8 : i32
      %mul3A_79 = arith.muli %scan3A_77, %mul3A_78 : i32
      %add3A_80 = arith.constant 0 : i32
      %add3A_81 = arith.addi %mul3A_79, %add3A_80 : i32
      %dma_start3A = arith.constant 0 : i32
      %dma_start3A_82 = arith.constant 0 : i32
      %dma_start3A_83 = tpu.memref_slice %arg6[%dma_start3A, %dma_start3A_82] : memref<1024x64xf32, #tpu.memory_space<vmem>> -> memref<128x64xf32, #tpu.memory_space<vmem>>
      %dma_start3A_84 = arith.constant 0 : i32
      %dma_start3A_85 = tpu.memref_slice %arg5[%add3A_81, %dma_start3A_84] : memref<24x128xi32, #tpu.memory_space<vmem>> -> memref<1x128xi32, #tpu.memory_space<vmem>>
      %dma_start3A_86 = tpu.memref_squeeze %dma_start3A_85 : memref<1x128xi32, #tpu.memory_space<vmem>> -> memref<128xi32, #tpu.memory_space<vmem>>
      %dma_start3A_87 = arith.constant 0 : i32
      %dma_start3A_88 = arith.constant 0 : i32
      %dma_start3A_89 = tpu.memref_slice %arg2[%dma_start3A_87, %dma_start3A_88] : memref<393216x64xf32, #tpu.memory_space<hbm>> -> memref<393216x64xf32, #tpu.memory_space<hbm>>
      tpu.enqueue_indirect_dma source(%dma_start3A_89 : memref<393216x64xf32, #tpu.memory_space<hbm>>) target(%dma_start3A_83 : memref<128x64xf32, #tpu.memory_space<vmem>>) offsets(%dma_start3A_86 : memref<128xi32, #tpu.memory_space<vmem>>) semaphore(%arg7 : memref<!tpu.dma_semaphore, #tpu.memory_space<semaphore_mem>>)
      %mul3A_90 = arith.constant 8 : i32
      %mul3A_91 = arith.muli %scan3A_77, %mul3A_90 : i32
      %add3A_92 = arith.constant 1 : i32
      %add3A_93 = arith.addi %mul3A_91, %add3A_92 : i32
      %dma_start3A_94 = arith.constant 128 : i32
      %dma_start3A_95 = arith.constant 0 : i32
      %dma_start3A_96 = tpu.memref_slice %arg6[%dma_start3A_94, %dma_start3A_95] : memref<1024x64xf32, #tpu.memory_space<vmem>> -> memref<128x64xf32, #tpu.memory_space<vmem>>
      %dma_start3A_97 = arith.constant 0 : i32
      %dma_start3A_98 = tpu.memref_slice %arg5[%add3A_93, %dma_start3A_97] : memref<24x128xi32, #tpu.memory_space<vmem>> -> memref<1x128xi32, #tpu.memory_space<vmem>>
      %dma_start3A_99 = tpu.memref_squeeze %dma_start3A_98 : memref<1x128xi32, #tpu.memory_space<vmem>> -> memref<128xi32, #tpu.memory_space<vmem>>
      %dma_start3A_100 = arith.constant 0 : i32
      %dma_start3A_101 = arith.constant 0 : i32
      %dma_start3A_102 = tpu.memref_slice %arg2[%dma_start3A_100, %dma_start3A_101] : memref<393216x64xf32, #tpu.memory_space<hbm>> -> memref<393216x64xf32, #tpu.memory_space<hbm>>
      tpu.enqueue_indirect_dma source(%dma_start3A_102 : memref<393216x64xf32, #tpu.memory_space<hbm>>) target(%dma_start3A_96 : memref<128x64xf32, #tpu.memory_space<vmem>>) offsets(%dma_start3A_99 : memref<128xi32, #tpu.memory_space<vmem>>) semaphore(%arg7 : memref<!tpu.dma_semaphore, #tpu.memory_space<semaphore_mem>>)
      %mul3A_103 = arith.constant 8 : i32
      %mul3A_104 = arith.muli %scan3A_77, %mul3A_103 : i32
      %add3A_105 = arith.constant 2 : i32
      %add3A_106 = arith.addi %mul3A_104, %add3A_105 : i32
      %dma_start3A_107 = arith.constant 256 : i32
      %dma_start3A_108 = arith.constant 0 : i32
      %dma_start3A_109 = tpu.memref_slice %arg6[%dma_start3A_107, %dma_start3A_108] : memref<1024x64xf32, #tpu.memory_space<vmem>> -> memref<128x64xf32, #tpu.memory_space<vmem>>
      %dma_start3A_110 = arith.constant 0 : i32
      %dma_start3A_111 = tpu.memref_slice %arg5[%add3A_106, %dma_start3A_110] : memref<24x128xi32, #tpu.memory_space<vmem>> -> memref<1x128xi32, #tpu.memory_space<vmem>>
      %dma_start3A_112 = tpu.memref_squeeze %dma_start3A_111 : memref<1x128xi32, #tpu.memory_space<vmem>> -> memref<128xi32, #tpu.memory_space<vmem>>
      %dma_start3A_113 = arith.constant 0 : i32
      %dma_start3A_114 = arith.constant 0 : i32
      %dma_start3A_115 = tpu.memref_slice %arg2[%dma_start3A_113, %dma_start3A_114] : memref<393216x64xf32, #tpu.memory_space<hbm>> -> memref<393216x64xf32, #tpu.memory_space<hbm>>
      tpu.enqueue_indirect_dma source(%dma_start3A_115 : memref<393216x64xf32, #tpu.memory_space<hbm>>) target(%dma_start3A_109 : memref<128x64xf32, #tpu.memory_space<vmem>>) offsets(%dma_start3A_112 : memref<128xi32, #tpu.memory_space<vmem>>) semaphore(%arg7 : memref<!tpu.dma_semaphore, #tpu.memory_space<semaphore_mem>>)
      %mul3A_116 = arith.constant 8 : i32
      %mul3A_117 = arith.muli %scan3A_77, %mul3A_116 : i32
      %add3A_118 = arith.constant 3 : i32
      %add3A_119 = arith.addi %mul3A_117, %add3A_118 : i32
      %dma_start3A_120 = arith.constant 384 : i32
      %dma_start3A_121 = arith.constant 0 : i32
      %dma_start3A_122 = tpu.memref_slice %arg6[%dma_start3A_120, %dma_start3A_121] : memref<1024x64xf32, #tpu.memory_space<vmem>> -> memref<128x64xf32, #tpu.memory_space<vmem>>
      %dma_start3A_123 = arith.constant 0 : i32
      %dma_start3A_124 = tpu.memref_slice %arg5[%add3A_119, %dma_start3A_123] : memref<24x128xi32, #tpu.memory_space<vmem>> -> memref<1x128xi32, #tpu.memory_space<vmem>>
      %dma_start3A_125 = tpu.memref_squeeze %dma_start3A_124 : memref<1x128xi32, #tpu.memory_space<vmem>> -> memref<128xi32, #tpu.memory_space<vmem>>
      %dma_start3A_126 = arith.constant 0 : i32
      %dma_start3A_127 = arith.constant 0 : i32
      %dma_start3A_128 = tpu.memref_slice %arg2[%dma_start3A_126, %dma_start3A_127] : memref<393216x64xf32, #tpu.memory_space<hbm>> -> memref<393216x64xf32, #tpu.memory_space<hbm>>
      tpu.enqueue_indirect_dma source(%dma_start3A_128 : memref<393216x64xf32, #tpu.memory_space<hbm>>) target(%dma_start3A_122 : memref<128x64xf32, #tpu.memory_space<vmem>>) offsets(%dma_start3A_125 : memref<128xi32, #tpu.memory_space<vmem>>) semaphore(%arg7 : memref<!tpu.dma_semaphore, #tpu.memory_space<semaphore_mem>>)
      %mul3A_129 = arith.constant 8 : i32
      %mul3A_130 = arith.muli %scan3A_77, %mul3A_129 : i32
      %add3A_131 = arith.constant 4 : i32
      %add3A_132 = arith.addi %mul3A_130, %add3A_131 : i32
      %dma_start3A_133 = arith.constant 512 : i32
      %dma_start3A_134 = arith.constant 0 : i32
      %dma_start3A_135 = tpu.memref_slice %arg6[%dma_start3A_133, %dma_start3A_134] : memref<1024x64xf32, #tpu.memory_space<vmem>> -> memref<128x64xf32, #tpu.memory_space<vmem>>
      %dma_start3A_136 = arith.constant 0 : i32
      %dma_start3A_137 = tpu.memref_slice %arg5[%add3A_132, %dma_start3A_136] : memref<24x128xi32, #tpu.memory_space<vmem>> -> memref<1x128xi32, #tpu.memory_space<vmem>>
      %dma_start3A_138 = tpu.memref_squeeze %dma_start3A_137 : memref<1x128xi32, #tpu.memory_space<vmem>> -> memref<128xi32, #tpu.memory_space<vmem>>
      %dma_start3A_139 = arith.constant 0 : i32
      %dma_start3A_140 = arith.constant 0 : i32
      %dma_start3A_141 = tpu.memref_slice %arg2[%dma_start3A_139, %dma_start3A_140] : memref<393216x64xf32, #tpu.memory_space<hbm>> -> memref<393216x64xf32, #tpu.memory_space<hbm>>
      tpu.enqueue_indirect_dma source(%dma_start3A_141 : memref<393216x64xf32, #tpu.memory_space<hbm>>) target(%dma_start3A_135 : memref<128x64xf32, #tpu.memory_space<vmem>>) offsets(%dma_start3A_138 : memref<128xi32, #tpu.memory_space<vmem>>) semaphore(%arg7 : memref<!tpu.dma_semaphore, #tpu.memory_space<semaphore_mem>>)
      %mul3A_142 = arith.constant 8 : i32
      %mul3A_143 = arith.muli %scan3A_77, %mul3A_142 : i32
      %add3A_144 = arith.constant 5 : i32
      %add3A_145 = arith.addi %mul3A_143, %add3A_144 : i32
      %dma_start3A_146 = arith.constant 640 : i32
      %dma_start3A_147 = arith.constant 0 : i32
      %dma_start3A_148 = tpu.memref_slice %arg6[%dma_start3A_146, %dma_start3A_147] : memref<1024x64xf32, #tpu.memory_space<vmem>> -> memref<128x64xf32, #tpu.memory_space<vmem>>
      %dma_start3A_149 = arith.constant 0 : i32
      %dma_start3A_150 = tpu.memref_slice %arg5[%add3A_145, %dma_start3A_149] : memref<24x128xi32, #tpu.memory_space<vmem>> -> memref<1x128xi32, #tpu.memory_space<vmem>>
      %dma_start3A_151 = tpu.memref_squeeze %dma_start3A_150 : memref<1x128xi32, #tpu.memory_space<vmem>> -> memref<128xi32, #tpu.memory_space<vmem>>
      %dma_start3A_152 = arith.constant 0 : i32
      %dma_start3A_153 = arith.constant 0 : i32
      %dma_start3A_154 = tpu.memref_slice %arg2[%dma_start3A_152, %dma_start3A_153] : memref<393216x64xf32, #tpu.memory_space<hbm>> -> memref<393216x64xf32, #tpu.memory_space<hbm>>
      tpu.enqueue_indirect_dma source(%dma_start3A_154 : memref<393216x64xf32, #tpu.memory_space<hbm>>) target(%dma_start3A_148 : memref<128x64xf32, #tpu.memory_space<vmem>>) offsets(%dma_start3A_151 : memref<128xi32, #tpu.memory_space<vmem>>) semaphore(%arg7 : memref<!tpu.dma_semaphore, #tpu.memory_space<semaphore_mem>>)
      %mul3A_155 = arith.constant 8 : i32
      %mul3A_156 = arith.muli %scan3A_77, %mul3A_155 : i32
      %add3A_157 = arith.constant 6 : i32
      %add3A_158 = arith.addi %mul3A_156, %add3A_157 : i32
      %dma_start3A_159 = arith.constant 768 : i32
      %dma_start3A_160 = arith.constant 0 : i32
      %dma_start3A_161 = tpu.memref_slice %arg6[%dma_start3A_159, %dma_start3A_160] : memref<1024x64xf32, #tpu.memory_space<vmem>> -> memref<128x64xf32, #tpu.memory_space<vmem>>
      %dma_start3A_162 = arith.constant 0 : i32
      %dma_start3A_163 = tpu.memref_slice %arg5[%add3A_158, %dma_start3A_162] : memref<24x128xi32, #tpu.memory_space<vmem>> -> memref<1x128xi32, #tpu.memory_space<vmem>>
      %dma_start3A_164 = tpu.memref_squeeze %dma_start3A_163 : memref<1x128xi32, #tpu.memory_space<vmem>> -> memref<128xi32, #tpu.memory_space<vmem>>
      %dma_start3A_165 = arith.constant 0 : i32
      %dma_start3A_166 = arith.constant 0 : i32
      %dma_start3A_167 = tpu.memref_slice %arg2[%dma_start3A_165, %dma_start3A_166] : memref<393216x64xf32, #tpu.memory_space<hbm>> -> memref<393216x64xf32, #tpu.memory_space<hbm>>
      tpu.enqueue_indirect_dma source(%dma_start3A_167 : memref<393216x64xf32, #tpu.memory_space<hbm>>) target(%dma_start3A_161 : memref<128x64xf32, #tpu.memory_space<vmem>>) offsets(%dma_start3A_164 : memref<128xi32, #tpu.memory_space<vmem>>) semaphore(%arg7 : memref<!tpu.dma_semaphore, #tpu.memory_space<semaphore_mem>>)
      %mul3A_168 = arith.constant 8 : i32
      %mul3A_169 = arith.muli %scan3A_77, %mul3A_168 : i32
      %add3A_170 = arith.constant 7 : i32
      %add3A_171 = arith.addi %mul3A_169, %add3A_170 : i32
      %dma_start3A_172 = arith.constant 896 : i32
      %dma_start3A_173 = arith.constant 0 : i32
      %dma_start3A_174 = tpu.memref_slice %arg6[%dma_start3A_172, %dma_start3A_173] : memref<1024x64xf32, #tpu.memory_space<vmem>> -> memref<128x64xf32, #tpu.memory_space<vmem>>
      %dma_start3A_175 = arith.constant 0 : i32
      %dma_start3A_176 = tpu.memref_slice %arg5[%add3A_171, %dma_start3A_175] : memref<24x128xi32, #tpu.memory_space<vmem>> -> memref<1x128xi32, #tpu.memory_space<vmem>>
      %dma_start3A_177 = tpu.memref_squeeze %dma_start3A_176 : memref<1x128xi32, #tpu.memory_space<vmem>> -> memref<128xi32, #tpu.memory_space<vmem>>
      %dma_start3A_178 = arith.constant 0 : i32
      %dma_start3A_179 = arith.constant 0 : i32
      %dma_start3A_180 = tpu.memref_slice %arg2[%dma_start3A_178, %dma_start3A_179] : memref<393216x64xf32, #tpu.memory_space<hbm>> -> memref<393216x64xf32, #tpu.memory_space<hbm>>
      tpu.enqueue_indirect_dma source(%dma_start3A_180 : memref<393216x64xf32, #tpu.memory_space<hbm>>) target(%dma_start3A_174 : memref<128x64xf32, #tpu.memory_space<vmem>>) offsets(%dma_start3A_177 : memref<128xi32, #tpu.memory_space<vmem>>) semaphore(%arg7 : memref<!tpu.dma_semaphore, #tpu.memory_space<semaphore_mem>>)
      %dma_wait3A = arith.constant 0 : i32
      %dma_wait3A_181 = arith.constant 0 : i32
      %dma_wait3A_182 = tpu.memref_slice %arg6[%dma_wait3A, %dma_wait3A_181] : memref<1024x64xf32, #tpu.memory_space<vmem>> -> memref<128x64xf32, #tpu.memory_space<vmem>>
      %dma_wait3A_183 = arith.constant 0 : i32
      %dma_wait3A_184 = tpu.memref_slice %arg5[%add3A_81, %dma_wait3A_183] : memref<24x128xi32, #tpu.memory_space<vmem>> -> memref<1x128xi32, #tpu.memory_space<vmem>>
      %dma_wait3A_185 = tpu.memref_squeeze %dma_wait3A_184 : memref<1x128xi32, #tpu.memory_space<vmem>> -> memref<128xi32, #tpu.memory_space<vmem>>
      %dma_wait3A_186 = arith.constant 0 : i32
      %dma_wait3A_187 = arith.constant 0 : i32
      %dma_wait3A_188 = tpu.memref_slice %arg2[%dma_wait3A_186, %dma_wait3A_187] : memref<393216x64xf32, #tpu.memory_space<hbm>> -> memref<393216x64xf32, #tpu.memory_space<hbm>>
      tpu.wait_indirect_dma semaphore(%arg7 : memref<!tpu.dma_semaphore, #tpu.memory_space<semaphore_mem>>) src(%dma_wait3A_188 : memref<393216x64xf32, #tpu.memory_space<hbm>>) dst(%dma_wait3A_182 : memref<128x64xf32, #tpu.memory_space<vmem>>)
      %dma_wait3A_189 = arith.constant 128 : i32
      %dma_wait3A_190 = arith.constant 0 : i32
      %dma_wait3A_191 = tpu.memref_slice %arg6[%dma_wait3A_189, %dma_wait3A_190] : memref<1024x64xf32, #tpu.memory_space<vmem>> -> memref<128x64xf32, #tpu.memory_space<vmem>>
      %dma_wait3A_192 = arith.constant 0 : i32
      %dma_wait3A_193 = tpu.memref_slice %arg5[%add3A_93, %dma_wait3A_192] : memref<24x128xi32, #tpu.memory_space<vmem>> -> memref<1x128xi32, #tpu.memory_space<vmem>>
      %dma_wait3A_194 = tpu.memref_squeeze %dma_wait3A_193 : memref<1x128xi32, #tpu.memory_space<vmem>> -> memref<128xi32, #tpu.memory_space<vmem>>
      %dma_wait3A_195 = arith.constant 0 : i32
      %dma_wait3A_196 = arith.constant 0 : i32
      %dma_wait3A_197 = tpu.memref_slice %arg2[%dma_wait3A_195, %dma_wait3A_196] : memref<393216x64xf32, #tpu.memory_space<hbm>> -> memref<393216x64xf32, #tpu.memory_space<hbm>>
      tpu.wait_indirect_dma semaphore(%arg7 : memref<!tpu.dma_semaphore, #tpu.memory_space<semaphore_mem>>) src(%dma_wait3A_197 : memref<393216x64xf32, #tpu.memory_space<hbm>>) dst(%dma_wait3A_191 : memref<128x64xf32, #tpu.memory_space<vmem>>)
      %dma_wait3A_198 = arith.constant 256 : i32
      %dma_wait3A_199 = arith.constant 0 : i32
      %dma_wait3A_200 = tpu.memref_slice %arg6[%dma_wait3A_198, %dma_wait3A_199] : memref<1024x64xf32, #tpu.memory_space<vmem>> -> memref<128x64xf32, #tpu.memory_space<vmem>>
      %dma_wait3A_201 = arith.constant 0 : i32
      %dma_wait3A_202 = tpu.memref_slice %arg5[%add3A_106, %dma_wait3A_201] : memref<24x128xi32, #tpu.memory_space<vmem>> -> memref<1x128xi32, #tpu.memory_space<vmem>>
      %dma_wait3A_203 = tpu.memref_squeeze %dma_wait3A_202 : memref<1x128xi32, #tpu.memory_space<vmem>> -> memref<128xi32, #tpu.memory_space<vmem>>
      %dma_wait3A_204 = arith.constant 0 : i32
      %dma_wait3A_205 = arith.constant 0 : i32
      %dma_wait3A_206 = tpu.memref_slice %arg2[%dma_wait3A_204, %dma_wait3A_205] : memref<393216x64xf32, #tpu.memory_space<hbm>> -> memref<393216x64xf32, #tpu.memory_space<hbm>>
      tpu.wait_indirect_dma semaphore(%arg7 : memref<!tpu.dma_semaphore, #tpu.memory_space<semaphore_mem>>) src(%dma_wait3A_206 : memref<393216x64xf32, #tpu.memory_space<hbm>>) dst(%dma_wait3A_200 : memref<128x64xf32, #tpu.memory_space<vmem>>)
      %dma_wait3A_207 = arith.constant 384 : i32
      %dma_wait3A_208 = arith.constant 0 : i32
      %dma_wait3A_209 = tpu.memref_slice %arg6[%dma_wait3A_207, %dma_wait3A_208] : memref<1024x64xf32, #tpu.memory_space<vmem>> -> memref<128x64xf32, #tpu.memory_space<vmem>>
      %dma_wait3A_210 = arith.constant 0 : i32
      %dma_wait3A_211 = tpu.memref_slice %arg5[%add3A_119, %dma_wait3A_210] : memref<24x128xi32, #tpu.memory_space<vmem>> -> memref<1x128xi32, #tpu.memory_space<vmem>>
      %dma_wait3A_212 = tpu.memref_squeeze %dma_wait3A_211 : memref<1x128xi32, #tpu.memory_space<vmem>> -> memref<128xi32, #tpu.memory_space<vmem>>
      %dma_wait3A_213 = arith.constant 0 : i32
      %dma_wait3A_214 = arith.constant 0 : i32
      %dma_wait3A_215 = tpu.memref_slice %arg2[%dma_wait3A_213, %dma_wait3A_214] : memref<393216x64xf32, #tpu.memory_space<hbm>> -> memref<393216x64xf32, #tpu.memory_space<hbm>>
      tpu.wait_indirect_dma semaphore(%arg7 : memref<!tpu.dma_semaphore, #tpu.memory_space<semaphore_mem>>) src(%dma_wait3A_215 : memref<393216x64xf32, #tpu.memory_space<hbm>>) dst(%dma_wait3A_209 : memref<128x64xf32, #tpu.memory_space<vmem>>)
      %dma_wait3A_216 = arith.constant 512 : i32
      %dma_wait3A_217 = arith.constant 0 : i32
      %dma_wait3A_218 = tpu.memref_slice %arg6[%dma_wait3A_216, %dma_wait3A_217] : memref<1024x64xf32, #tpu.memory_space<vmem>> -> memref<128x64xf32, #tpu.memory_space<vmem>>
      %dma_wait3A_219 = arith.constant 0 : i32
      %dma_wait3A_220 = tpu.memref_slice %arg5[%add3A_132, %dma_wait3A_219] : memref<24x128xi32, #tpu.memory_space<vmem>> -> memref<1x128xi32, #tpu.memory_space<vmem>>
      %dma_wait3A_221 = tpu.memref_squeeze %dma_wait3A_220 : memref<1x128xi32, #tpu.memory_space<vmem>> -> memref<128xi32, #tpu.memory_space<vmem>>
      %dma_wait3A_222 = arith.constant 0 : i32
      %dma_wait3A_223 = arith.constant 0 : i32
      %dma_wait3A_224 = tpu.memref_slice %arg2[%dma_wait3A_222, %dma_wait3A_223] : memref<393216x64xf32, #tpu.memory_space<hbm>> -> memref<393216x64xf32, #tpu.memory_space<hbm>>
      tpu.wait_indirect_dma semaphore(%arg7 : memref<!tpu.dma_semaphore, #tpu.memory_space<semaphore_mem>>) src(%dma_wait3A_224 : memref<393216x64xf32, #tpu.memory_space<hbm>>) dst(%dma_wait3A_218 : memref<128x64xf32, #tpu.memory_space<vmem>>)
      %dma_wait3A_225 = arith.constant 640 : i32
      %dma_wait3A_226 = arith.constant 0 : i32
      %dma_wait3A_227 = tpu.memref_slice %arg6[%dma_wait3A_225, %dma_wait3A_226] : memref<1024x64xf32, #tpu.memory_space<vmem>> -> memref<128x64xf32, #tpu.memory_space<vmem>>
      %dma_wait3A_228 = arith.constant 0 : i32
      %dma_wait3A_229 = tpu.memref_slice %arg5[%add3A_145, %dma_wait3A_228] : memref<24x128xi32, #tpu.memory_space<vmem>> -> memref<1x128xi32, #tpu.memory_space<vmem>>
      %dma_wait3A_230 = tpu.memref_squeeze %dma_wait3A_229 : memref<1x128xi32, #tpu.memory_space<vmem>> -> memref<128xi32, #tpu.memory_space<vmem>>
      %dma_wait3A_231 = arith.constant 0 : i32
      %dma_wait3A_232 = arith.constant 0 : i32
      %dma_wait3A_233 = tpu.memref_slice %arg2[%dma_wait3A_231, %dma_wait3A_232] : memref<393216x64xf32, #tpu.memory_space<hbm>> -> memref<393216x64xf32, #tpu.memory_space<hbm>>
      tpu.wait_indirect_dma semaphore(%arg7 : memref<!tpu.dma_semaphore, #tpu.memory_space<semaphore_mem>>) src(%dma_wait3A_233 : memref<393216x64xf32, #tpu.memory_space<hbm>>) dst(%dma_wait3A_227 : memref<128x64xf32, #tpu.memory_space<vmem>>)
      %dma_wait3A_234 = arith.constant 768 : i32
      %dma_wait3A_235 = arith.constant 0 : i32
      %dma_wait3A_236 = tpu.memref_slice %arg6[%dma_wait3A_234, %dma_wait3A_235] : memref<1024x64xf32, #tpu.memory_space<vmem>> -> memref<128x64xf32, #tpu.memory_space<vmem>>
      %dma_wait3A_237 = arith.constant 0 : i32
      %dma_wait3A_238 = tpu.memref_slice %arg5[%add3A_158, %dma_wait3A_237] : memref<24x128xi32, #tpu.memory_space<vmem>> -> memref<1x128xi32, #tpu.memory_space<vmem>>
      %dma_wait3A_239 = tpu.memref_squeeze %dma_wait3A_238 : memref<1x128xi32, #tpu.memory_space<vmem>> -> memref<128xi32, #tpu.memory_space<vmem>>
      %dma_wait3A_240 = arith.constant 0 : i32
      %dma_wait3A_241 = arith.constant 0 : i32
      %dma_wait3A_242 = tpu.memref_slice %arg2[%dma_wait3A_240, %dma_wait3A_241] : memref<393216x64xf32, #tpu.memory_space<hbm>> -> memref<393216x64xf32, #tpu.memory_space<hbm>>
      tpu.wait_indirect_dma semaphore(%arg7 : memref<!tpu.dma_semaphore, #tpu.memory_space<semaphore_mem>>) src(%dma_wait3A_242 : memref<393216x64xf32, #tpu.memory_space<hbm>>) dst(%dma_wait3A_236 : memref<128x64xf32, #tpu.memory_space<vmem>>)
      %dma_wait3A_243 = arith.constant 896 : i32
      %dma_wait3A_244 = arith.constant 0 : i32
      %dma_wait3A_245 = tpu.memref_slice %arg6[%dma_wait3A_243, %dma_wait3A_244] : memref<1024x64xf32, #tpu.memory_space<vmem>> -> memref<128x64xf32, #tpu.memory_space<vmem>>
      %dma_wait3A_246 = arith.constant 0 : i32
      %dma_wait3A_247 = tpu.memref_slice %arg5[%add3A_171, %dma_wait3A_246] : memref<24x128xi32, #tpu.memory_space<vmem>> -> memref<1x128xi32, #tpu.memory_space<vmem>>
      %dma_wait3A_248 = tpu.memref_squeeze %dma_wait3A_247 : memref<1x128xi32, #tpu.memory_space<vmem>> -> memref<128xi32, #tpu.memory_space<vmem>>
      %dma_wait3A_249 = arith.constant 0 : i32
      %dma_wait3A_250 = arith.constant 0 : i32
      %dma_wait3A_251 = tpu.memref_slice %arg2[%dma_wait3A_249, %dma_wait3A_250] : memref<393216x64xf32, #tpu.memory_space<hbm>> -> memref<393216x64xf32, #tpu.memory_space<hbm>>
      tpu.wait_indirect_dma semaphore(%arg7 : memref<!tpu.dma_semaphore, #tpu.memory_space<semaphore_mem>>) src(%dma_wait3A_251 : memref<393216x64xf32, #tpu.memory_space<hbm>>) dst(%dma_wait3A_245 : memref<128x64xf32, #tpu.memory_space<vmem>>)
      %mul3A_252 = arith.constant 1024 : i32
      %mul3A_253 = arith.muli %scan3A_77, %mul3A_252 : i32
      %add3A_254 = arith.addi %mul3A_32, %mul3A_253 : i32
      %mul3A_255 = arith.constant 64 : i32
      %mul3A_256 = arith.muli %select_n3A_72, %mul3A_255 : i32
      "tpu.region"() ({
        %run_scoped3A = tpu.sem_alloc : memref<!tpu.dma_semaphore, #tpu.memory_space<semaphore_mem>>
        %dma_start3A_257 = tpu.memref_slice %arg4[%select_n3A_56, %add3A_254, %mul3A_256] : memref<2x24576x128xf32, #tpu.memory_space<hbm>> -> memref<1x1024x64xf32, #tpu.memory_space<hbm>>
        %dma_start3A_258 = tpu.memref_squeeze %dma_start3A_257 : memref<1x1024x64xf32, #tpu.memory_space<hbm>> -> memref<1024x64xf32, #tpu.memory_space<hbm>>
        %dma_start3A_259 = tpu.memref_slice %arg4[%select_n3A_56, %add3A_254, %mul3A_256] : memref<2x24576x128xf32, #tpu.memory_space<hbm>> -> memref<1x1024x64xf32, #tpu.memory_space<hbm>>
        %dma_start3A_260 = tpu.memref_squeeze %dma_start3A_259 : memref<1x1024x64xf32, #tpu.memory_space<hbm>> -> memref<1024x64xf32, #tpu.memory_space<hbm>>
        tpu.enqueue_dma source(%arg6 : memref<1024x64xf32, #tpu.memory_space<vmem>>) target(%dma_start3A_260 : memref<1024x64xf32, #tpu.memory_space<hbm>>) target_semaphore(%run_scoped3A : memref<!tpu.dma_semaphore, #tpu.memory_space<semaphore_mem>>)
        %dma_wait3A_261 = tpu.memref_slice %arg4[%select_n3A_56, %add3A_254, %mul3A_256] : memref<2x24576x128xf32, #tpu.memory_space<hbm>> -> memref<1x1024x64xf32, #tpu.memory_space<hbm>>
        %dma_wait3A_262 = tpu.memref_squeeze %dma_wait3A_261 : memref<1x1024x64xf32, #tpu.memory_space<hbm>> -> memref<1024x64xf32, #tpu.memory_space<hbm>>
        %dma_wait3A_263 = tpu.memref_slice %arg4[%select_n3A_56, %add3A_254, %mul3A_256] : memref<2x24576x128xf32, #tpu.memory_space<hbm>> -> memref<1x1024x64xf32, #tpu.memory_space<hbm>>
        %dma_wait3A_264 = tpu.memref_squeeze %dma_wait3A_263 : memref<1x1024x64xf32, #tpu.memory_space<hbm>> -> memref<1024x64xf32, #tpu.memory_space<hbm>>
        tpu.wait_dma2 semaphore(%run_scoped3A : memref<!tpu.dma_semaphore, #tpu.memory_space<semaphore_mem>>) src(%arg6 : memref<1024x64xf32, #tpu.memory_space<vmem>>) dst(%dma_wait3A_264 : memref<1024x64xf32, #tpu.memory_space<hbm>>)
        tpu.yield
      }) : () -> ()
    }
    %scan3A_76 = arith.constant 3 : i32
    return
  }
}

module attributes {stable_mosaic.version = 14 : i64} {
  func.func @_tpad_body(%arg0: i32, %arg1: i32, %arg2: memref<1x64x4096xf32, #tpu.memory_space<vmem>>, %arg3: memref<1x4096x128xf32, #tpu.memory_space<vmem>>) attributes {dimension_semantics = [#tpu.dimension_semantics<arbitrary>, #tpu.dimension_semantics<arbitrary>], iteration_bounds = array<i64: 4, 12>, scalar_prefetch = 0 : i64, scratch_operands = 0 : i64, tpu.core_type = #tpu.core_type<tc>, window_params = [{transform_indices = @transform_0, window_bounds = array<i64: 1, 64, 4096>}, {transform_indices = @transform_1, window_bounds = array<i64: 1, 4096, 128>}]} {
    %get3A = arith.constant 0 : index
    %get3A_0 = arith.constant 0 : index
    %get3A_1 = arith.constant 0 : index
    %get3A_2 = vector.load %arg2[%get3A, %get3A_0, %get3A_1] : memref<1x64x4096xf32, #tpu.memory_space<vmem>>, vector<1x64x4096xf32>
    %get3A_3 = vector.shape_cast %get3A_2 : vector<1x64x4096xf32> to vector<64x4096xf32>
    %transpose3A = tpu.transpose %get3A_3, [1, 0] : vector<64x4096xf32> -> vector<4096x64xf32>
    %swap3A = arith.constant 0 : index
    %swap3A_4 = arith.constant 0 : index
    %swap3A_5 = arith.constant 0 : index
    %swap3A_6 = vector.load %arg3[%swap3A, %swap3A_4, %swap3A_5] : memref<1x4096x128xf32, #tpu.memory_space<vmem>>, vector<1x4096x64xf32>
    %swap3A_7 = vector.shape_cast %swap3A_6 : vector<1x4096x64xf32> to vector<4096x64xf32>
    %swap3A_8 = vector.shape_cast %transpose3A : vector<4096x64xf32> to vector<1x4096x64xf32>
    tpu.vector_store %arg3[%swap3A, %swap3A_4, %swap3A_5], %swap3A_8 {strides = array<i32>} : memref<1x4096x128xf32, #tpu.memory_space<vmem>>, vector<1x4096x64xf32>,
    %broadcast_in_dim3A = arith.constant 0.000000e+00 : f32
    %broadcast_in_dim3A_9 = vector.broadcast %broadcast_in_dim3A : f32 to vector<4096x64xf32>
    %swap3A_10 = arith.constant 0 : index
    %swap3A_11 = arith.constant 0 : index
    %swap3A_12 = arith.constant 64 : index
    %swap3A_13 = vector.load %arg3[%swap3A_10, %swap3A_11, %swap3A_12] : memref<1x4096x128xf32, #tpu.memory_space<vmem>>, vector<1x4096x64xf32>
    %swap3A_14 = vector.shape_cast %swap3A_13 : vector<1x4096x64xf32> to vector<4096x64xf32>
    %swap3A_15 = vector.shape_cast %broadcast_in_dim3A_9 : vector<4096x64xf32> to vector<1x4096x64xf32>
    tpu.vector_store %arg3[%swap3A_10, %swap3A_11, %swap3A_12], %swap3A_15 {strides = array<i32>} : memref<1x4096x128xf32, #tpu.memory_space<vmem>>, vector<1x4096x64xf32>,
    return
  }
  func.func @transform_0(%arg0: i32, %arg1: i32) -> (i32, i32, i32) {
    %c0_i32 = arith.constant 0 : i32
    %c0_i32_0 = arith.constant 0 : i32
    return %arg0, %c0_i32, %arg1 : i32, i32, i32
  }
  func.func @transform_1(%arg0: i32, %arg1: i32) -> (i32, i32, i32) {
    %c0_i32 = arith.constant 0 : i32
    %c0_i32_0 = arith.constant 0 : i32
    return %arg0, %arg1, %c0_i32 : i32, i32, i32
  }
}

module attributes {stable_mosaic.version = 14 : i64} {
  func.func @_film_body(%arg0: i32, %arg1: i32, %arg2: memref<8xi32, #tpu.memory_space<smem>>, %arg3: memref<1x1x1x64x8192xf32, #tpu.memory_space<vmem>>, %arg4: memref<2x8192x128xf32, #tpu.memory_space<vmem>>, %arg5: memref<256x128xf32, #tpu.memory_space<vmem>>, %arg6: memref<128x128xf32, #tpu.memory_space<vmem>>, %arg7: memref<1x1x1x64x8192xf32, #tpu.memory_space<vmem>>) attributes {dimension_semantics = [#tpu.dimension_semantics<arbitrary>, #tpu.dimension_semantics<arbitrary>], iteration_bounds = array<i64: 3, 8>, scalar_prefetch = 1 : i64, scratch_operands = 0 : i64, tpu.core_type = #tpu.core_type<tc>, window_params = [{transform_indices = @transform_0, window_bounds = array<i64: 1, 1, 1, 64, 8192>}, {transform_indices = @transform_1, window_bounds = array<i64: 2, 8192, 128>}, {pipeline_mode = #tpu.pipeline_mode<synchronous>, transform_indices = @transform_2, window_bounds = array<i64: 256, 128>}, {pipeline_mode = #tpu.pipeline_mode<synchronous>, transform_indices = @transform_3, window_bounds = array<i64: 128, 128>}, {transform_indices = @transform_4, window_bounds = array<i64: 1, 1, 1, 64, 8192>}]} {
    %get3A = arith.index_cast %arg1 : i32 to index
    %get3A_0 = memref.load %arg2[%get3A] : memref<8xi32, #tpu.memory_space<smem>>
    %jit3A = arith.constant 2 : i32
    %div3A = arith.divsi %get3A_0, %jit3A : i32
    %sign3A = arith.constant 0 : i32
    %sign3A_1 = arith.cmpi sgt, %get3A_0, %sign3A : i32
    %sign3A_2 = arith.extui %sign3A_1 : i1 to i32
    %sign3A_3 = arith.constant 0 : i32
    %sign3A_4 = arith.cmpi slt, %get3A_0, %sign3A_3 : i32
    %sign3A_5 = arith.extui %sign3A_4 : i1 to i32
    %sign3A_6 = arith.subi %sign3A_2, %sign3A_5 : i32
    %sign3A_7 = arith.constant 0 : i32
    %sign3A_8 = arith.cmpi sgt, %jit3A, %sign3A_7 : i32
    %sign3A_9 = arith.extui %sign3A_8 : i1 to i32
    %sign3A_10 = arith.constant 0 : i32
    %sign3A_11 = arith.cmpi slt, %jit3A, %sign3A_10 : i32
    %sign3A_12 = arith.extui %sign3A_11 : i1 to i32
    %sign3A_13 = arith.subi %sign3A_9, %sign3A_12 : i32
    %ne3A = arith.cmpi ne, %sign3A_6, %sign3A_13 : i32
    %rem3A = arith.remsi %get3A_0, %jit3A : i32
    %ne3A_14 = arith.constant 0 : i32
    %ne3A_15 = arith.cmpi ne, %rem3A, %ne3A_14 : i32
    %and3A = arith.andi %ne3A, %ne3A_15 : i1
    %sub3A = arith.constant 1 : i32
    %sub3A_16 = arith.subi %div3A, %sub3A : i32
    %select_n3A = arith.select %and3A, %sub3A_16, %div3A : i32
    %get3A_17 = arith.index_cast %select_n3A : i32 to index
    %get3A_18 = arith.constant 0 : index
    %get3A_19 = arith.constant 0 : index
    %get3A_20 = vector.load %arg4[%get3A_17, %get3A_18, %get3A_19] : memref<2x8192x128xf32, #tpu.memory_space<vmem>>, vector<1x8192x128xf32>
    %get3A_21 = vector.shape_cast %get3A_20 : vector<1x8192x128xf32> to vector<8192x128xf32>
    %get3A_22 = arith.constant 0 : index
    %get3A_23 = arith.constant 0 : index
    %get3A_24 = vector.load %arg5[%get3A_22, %get3A_23] : memref<256x128xf32, #tpu.memory_space<vmem>>, vector<256x128xf32>
    %dot_general3A = arith.constant dense<0.000000e+00> : vector<256x8192xf32>
    %dot_general3A_25 = tpu.matmul %get3A_24, %get3A_21, %dot_general3A {dimension_numbers = #tpu.dot_dimension_numbers<[1], [1], [0], [0], [0, 0, 1, 0], [], []>, transpose_lhs_hint = false} : vector<256x128xf32>, vector<8192x128xf32>, vector<256x8192xf32> -> vector<256x8192xf32>
    %jit3A_26 = arith.constant 2 : i32
    %eq3A = arith.constant 0 : i32
    %eq3A_27 = arith.cmpi eq, %jit3A_26, %eq3A : i32
    %jit3A_28 = arith.constant 1 : i32
    %select_n3A_29 = arith.select %eq3A_27, %jit3A_28, %jit3A_26 : i32
    %rem3A_30 = arith.remsi %get3A_0, %select_n3A_29 : i32
    %ne3A_31 = arith.constant 0 : i32
    %ne3A_32 = arith.cmpi ne, %rem3A_30, %ne3A_31 : i32
    %lt3A = arith.constant 0 : i32
    %lt3A_33 = arith.cmpi slt, %rem3A_30, %lt3A : i32
    %lt3A_34 = arith.constant 0 : i32
    %lt3A_35 = arith.cmpi slt, %select_n3A_29, %lt3A_34 : i32
    %ne3A_36 = arith.xori %lt3A_33, %lt3A_35 : i1
    %and3A_37 = arith.andi %ne3A_36, %ne3A_32 : i1
    %add3A = arith.addi %rem3A_30, %select_n3A_29 : i32
    %select_n3A_38 = arith.select %and3A_37, %add3A, %rem3A_30 : i32
    %eq3A_39 = arith.constant 0 : i32
    %eq3A_40 = arith.cmpi eq, %select_n3A_38, %eq3A_39 : i32
    %slice3A = vector.extract_strided_slice %dot_general3A_25 {offsets = [0, 0], sizes = [128, 8192], strides = [1, 1]} : vector<256x8192xf32> to vector<128x8192xf32>
    %slice3A_41 = vector.extract_strided_slice %dot_general3A_25 {offsets = [128, 0], sizes = [128, 8192], strides = [1, 1]} : vector<256x8192xf32> to vector<128x8192xf32>
    %select_n3A_42 = arith.select %eq3A_40, %slice3A, %slice3A_41 : vector<128x8192xf32>
    %get3A_43 = arith.constant 0 : index
    %get3A_44 = arith.constant 0 : index
    %get3A_45 = vector.load %arg6[%get3A_43, %get3A_44] : memref<128x128xf32, #tpu.memory_space<vmem>>, vector<128x1xf32>
    %add3A_46 = vector.broadcast %get3A_45 : vector<128x1xf32> to vector<128x8192xf32>
    %add3A_47 = arith.addf %select_n3A_42, %add3A_46 : vector<128x8192xf32>
    %get3A_48 = arith.constant 0 : index
    %get3A_49 = arith.constant 0 : index
    %get3A_50 = arith.constant 0 : index
    %get3A_51 = arith.constant 0 : index
    %get3A_52 = arith.constant 0 : index
    %get3A_53 = vector.load %arg3[%get3A_48, %get3A_49, %get3A_50, %get3A_51, %get3A_52] : memref<1x1x1x64x8192xf32, #tpu.memory_space<vmem>>, vector<1x1x1x64x8192xf32>
    %get3A_54 = vector.shape_cast %get3A_53 : vector<1x1x1x64x8192xf32> to vector<64x8192xf32>
    %slice3A_55 = vector.extract_strided_slice %add3A_47 {offsets = [0, 0], sizes = [64, 8192], strides = [1, 1]} : vector<128x8192xf32> to vector<64x8192xf32>
    %mul3A = arith.mulf %get3A_54, %slice3A_55 : vector<64x8192xf32>
    %slice3A_56 = vector.extract_strided_slice %add3A_47 {offsets = [64, 0], sizes = [64, 8192], strides = [1, 1]} : vector<128x8192xf32> to vector<64x8192xf32>
    %add3A_57 = arith.addf %mul3A, %slice3A_56 : vector<64x8192xf32>
    %swap3A = arith.constant 0 : index
    %swap3A_58 = arith.constant 0 : index
    %swap3A_59 = arith.constant 0 : index
    %swap3A_60 = arith.constant 0 : index
    %swap3A_61 = arith.constant 0 : index
    %swap3A_62 = vector.load %arg7[%swap3A, %swap3A_58, %swap3A_59, %swap3A_60, %swap3A_61] : memref<1x1x1x64x8192xf32, #tpu.memory_space<vmem>>, vector<1x1x1x64x8192xf32>
    %swap3A_63 = vector.shape_cast %swap3A_62 : vector<1x1x1x64x8192xf32> to vector<64x8192xf32>
    %swap3A_64 = vector.shape_cast %add3A_57 : vector<64x8192xf32> to vector<1x1x1x64x8192xf32>
    tpu.vector_store %arg7[%swap3A, %swap3A_58, %swap3A_59, %swap3A_60, %swap3A_61], %swap3A_64 {strides = array<i32>} : memref<1x1x1x64x8192xf32, #tpu.memory_space<vmem>>, vector<1x1x1x64x8192xf32>,
    return
  }
  func.func @transform_0(%arg0: i32, %arg1: i32, %arg2: memref<8xi32, #tpu.memory_space<smem>>) -> (i32, i32, i32, i32, i32) {
    %jit3A = arith.constant 4 : i32
    %div3A = arith.divsi %arg1, %jit3A : i32
    %sign3A = arith.constant 0 : i32
    %sign3A_0 = arith.cmpi sgt, %arg1, %sign3A : i32
    %sign3A_1 = arith.extui %sign3A_0 : i1 to i32
    %sign3A_2 = arith.constant 0 : i32
    %sign3A_3 = arith.cmpi slt, %arg1, %sign3A_2 : i32
    %sign3A_4 = arith.extui %sign3A_3 : i1 to i32
    %sign3A_5 = arith.subi %sign3A_1, %sign3A_4 : i32
    %sign3A_6 = arith.constant 0 : i32
    %sign3A_7 = arith.cmpi sgt, %jit3A, %sign3A_6 : i32
    %sign3A_8 = arith.extui %sign3A_7 : i1 to i32
    %sign3A_9 = arith.constant 0 : i32
    %sign3A_10 = arith.cmpi slt, %jit3A, %sign3A_9 : i32
    %sign3A_11 = arith.extui %sign3A_10 : i1 to i32
    %sign3A_12 = arith.subi %sign3A_8, %sign3A_11 : i32
    %ne3A = arith.cmpi ne, %sign3A_5, %sign3A_12 : i32
    %rem3A = arith.remsi %arg1, %jit3A : i32
    %ne3A_13 = arith.constant 0 : i32
    %ne3A_14 = arith.cmpi ne, %rem3A, %ne3A_13 : i32
    %and3A = arith.andi %ne3A, %ne3A_14 : i1
    %sub3A = arith.constant 1 : i32
    %sub3A_15 = arith.subi %div3A, %sub3A : i32
    %select_n3A = arith.select %and3A, %sub3A_15, %div3A : i32
    %jit3A_16 = arith.constant 4 : i32
    %eq3A = arith.constant 0 : i32
    %eq3A_17 = arith.cmpi eq, %jit3A_16, %eq3A : i32
    %jit3A_18 = arith.constant 1 : i32
    %select_n3A_19 = arith.select %eq3A_17, %jit3A_18, %jit3A_16 : i32
    %rem3A_20 = arith.remsi %arg1, %select_n3A_19 : i32
    %ne3A_21 = arith.constant 0 : i32
    %ne3A_22 = arith.cmpi ne, %rem3A_20, %ne3A_21 : i32
    %lt3A = arith.constant 0 : i32
    %lt3A_23 = arith.cmpi slt, %rem3A_20, %lt3A : i32
    %lt3A_24 = arith.constant 0 : i32
    %lt3A_25 = arith.cmpi slt, %select_n3A_19, %lt3A_24 : i32
    %ne3A_26 = arith.xori %lt3A_23, %lt3A_25 : i1
    %and3A_27 = arith.andi %ne3A_26, %ne3A_22 : i1
    %add3A = arith.addi %rem3A_20, %select_n3A_19 : i32
    %select_n3A_28 = arith.select %and3A_27, %add3A, %rem3A_20 : i32
    %add3A_29 = arith.constant 0 : i32
    %add3A_30 = arith.addi %add3A_29, %arg0 : i32
    %c0_i32 = arith.constant 0 : i32
    %c0_i32_31 = arith.constant 0 : i32
    %c0_i32_32 = arith.constant 0 : i32
    return %select_n3A, %c0_i32, %select_n3A_28, %c0_i32_31, %add3A_30 : i32, i32, i32, i32, i32
  }
  func.func @transform_1(%arg0: i32, %arg1: i32, %arg2: memref<8xi32, #tpu.memory_space<smem>>) -> (i32, i32, i32) {
    %c0_i32 = arith.constant 0 : i32
    %c0_i32_0 = arith.constant 0 : i32
    %c0_i32_1 = arith.constant 0 : i32
    return %c0_i32, %arg0, %c0_i32_0 : i32, i32, i32
  }
  func.func @transform_2(%arg0: i32, %arg1: i32, %arg2: memref<8xi32, #tpu.memory_space<smem>>) -> (i32, i32) {
    %c0_i32 = arith.constant 0 : i32
    %c0_i32_0 = arith.constant 0 : i32
    %c0_i32_1 = arith.constant 0 : i32
    return %c0_i32, %c0_i32_0 : i32, i32
  }
  func.func @transform_3(%arg0: i32, %arg1: i32, %arg2: memref<8xi32, #tpu.memory_space<smem>>) -> (i32, i32) {
    %c0_i32 = arith.constant 0 : i32
    %c0_i32_0 = arith.constant 0 : i32
    %c0_i32_1 = arith.constant 0 : i32
    return %c0_i32, %c0_i32_0 : i32, i32
  }
  func.func @transform_4(%arg0: i32, %arg1: i32, %arg2: memref<8xi32, #tpu.memory_space<smem>>) -> (i32, i32, i32, i32, i32) {
    %jit3A = arith.constant 4 : i32
    %div3A = arith.divsi %arg1, %jit3A : i32
    %sign3A = arith.constant 0 : i32
    %sign3A_0 = arith.cmpi sgt, %arg1, %sign3A : i32
    %sign3A_1 = arith.extui %sign3A_0 : i1 to i32
    %sign3A_2 = arith.constant 0 : i32
    %sign3A_3 = arith.cmpi slt, %arg1, %sign3A_2 : i32
    %sign3A_4 = arith.extui %sign3A_3 : i1 to i32
    %sign3A_5 = arith.subi %sign3A_1, %sign3A_4 : i32
    %sign3A_6 = arith.constant 0 : i32
    %sign3A_7 = arith.cmpi sgt, %jit3A, %sign3A_6 : i32
    %sign3A_8 = arith.extui %sign3A_7 : i1 to i32
    %sign3A_9 = arith.constant 0 : i32
    %sign3A_10 = arith.cmpi slt, %jit3A, %sign3A_9 : i32
    %sign3A_11 = arith.extui %sign3A_10 : i1 to i32
    %sign3A_12 = arith.subi %sign3A_8, %sign3A_11 : i32
    %ne3A = arith.cmpi ne, %sign3A_5, %sign3A_12 : i32
    %rem3A = arith.remsi %arg1, %jit3A : i32
    %ne3A_13 = arith.constant 0 : i32
    %ne3A_14 = arith.cmpi ne, %rem3A, %ne3A_13 : i32
    %and3A = arith.andi %ne3A, %ne3A_14 : i1
    %sub3A = arith.constant 1 : i32
    %sub3A_15 = arith.subi %div3A, %sub3A : i32
    %select_n3A = arith.select %and3A, %sub3A_15, %div3A : i32
    %jit3A_16 = arith.constant 4 : i32
    %eq3A = arith.constant 0 : i32
    %eq3A_17 = arith.cmpi eq, %jit3A_16, %eq3A : i32
    %jit3A_18 = arith.constant 1 : i32
    %select_n3A_19 = arith.select %eq3A_17, %jit3A_18, %jit3A_16 : i32
    %rem3A_20 = arith.remsi %arg1, %select_n3A_19 : i32
    %ne3A_21 = arith.constant 0 : i32
    %ne3A_22 = arith.cmpi ne, %rem3A_20, %ne3A_21 : i32
    %lt3A = arith.constant 0 : i32
    %lt3A_23 = arith.cmpi slt, %rem3A_20, %lt3A : i32
    %lt3A_24 = arith.constant 0 : i32
    %lt3A_25 = arith.cmpi slt, %select_n3A_19, %lt3A_24 : i32
    %ne3A_26 = arith.xori %lt3A_23, %lt3A_25 : i1
    %and3A_27 = arith.andi %ne3A_26, %ne3A_22 : i1
    %add3A = arith.addi %rem3A_20, %select_n3A_19 : i32
    %select_n3A_28 = arith.select %and3A_27, %add3A, %rem3A_20 : i32
    %add3A_29 = arith.constant 0 : i32
    %add3A_30 = arith.addi %add3A_29, %arg0 : i32
    %c0_i32 = arith.constant 0 : i32
    %c0_i32_31 = arith.constant 0 : i32
    %c0_i32_32 = arith.constant 0 : i32
    return %select_n3A, %c0_i32, %select_n3A_28, %c0_i32_31, %add3A_30 : i32, i32, i32, i32, i32
  }
}

module attributes {stable_mosaic.version = 14 : i64} {
  func.func @_film_body_alias(%arg0: i32, %arg1: i32, %arg2: memref<8xi32, #tpu.memory_space<smem>>, %arg3: memref<1x1x1x64x8192xf32, #tpu.memory_space<vmem>>, %arg4: memref<2x8192x128xf32, #tpu.memory_space<vmem>>, %arg5: memref<256x128xf32, #tpu.memory_space<vmem>>, %arg6: memref<128x128xf32, #tpu.memory_space<vmem>>, %arg7: memref<2x1x4x64x49152xf32, #tpu.memory_space<any>>, %arg8: memref<1x1x1x64x8192xf32, #tpu.memory_space<vmem>>) attributes {dimension_semantics = [#tpu.dimension_semantics<arbitrary>, #tpu.dimension_semantics<arbitrary>], iteration_bounds = array<i64: 3, 8>, scalar_prefetch = 1 : i64, scratch_operands = 0 : i64, tpu.core_type = #tpu.core_type<tc>, window_params = [{transform_indices = @transform_0, window_bounds = array<i64: 1, 1, 1, 64, 8192>}, {transform_indices = @transform_1, window_bounds = array<i64: 2, 8192, 128>}, {pipeline_mode = #tpu.pipeline_mode<synchronous>, transform_indices = @transform_2, window_bounds = array<i64: 256, 128>}, {pipeline_mode = #tpu.pipeline_mode<synchronous>, transform_indices = @transform_3, window_bounds = array<i64: 128, 128>}, {}, {transform_indices = @transform_5, window_bounds = array<i64: 1, 1, 1, 64, 8192>}]} {
    %get3A = arith.index_cast %arg1 : i32 to index
    %get3A_0 = memref.load %arg2[%get3A] : memref<8xi32, #tpu.memory_space<smem>>
    %jit3A = arith.constant 2 : i32
    %div3A = arith.divsi %get3A_0, %jit3A : i32
    %sign3A = arith.constant 0 : i32
    %sign3A_1 = arith.cmpi sgt, %get3A_0, %sign3A : i32
    %sign3A_2 = arith.extui %sign3A_1 : i1 to i32
    %sign3A_3 = arith.constant 0 : i32
    %sign3A_4 = arith.cmpi slt, %get3A_0, %sign3A_3 : i32
    %sign3A_5 = arith.extui %sign3A_4 : i1 to i32
    %sign3A_6 = arith.subi %sign3A_2, %sign3A_5 : i32
    %sign3A_7 = arith.constant 0 : i32
    %sign3A_8 = arith.cmpi sgt, %jit3A, %sign3A_7 : i32
    %sign3A_9 = arith.extui %sign3A_8 : i1 to i32
    %sign3A_10 = arith.constant 0 : i32
    %sign3A_11 = arith.cmpi slt, %jit3A, %sign3A_10 : i32
    %sign3A_12 = arith.extui %sign3A_11 : i1 to i32
    %sign3A_13 = arith.subi %sign3A_9, %sign3A_12 : i32
    %ne3A = arith.cmpi ne, %sign3A_6, %sign3A_13 : i32
    %rem3A = arith.remsi %get3A_0, %jit3A : i32
    %ne3A_14 = arith.constant 0 : i32
    %ne3A_15 = arith.cmpi ne, %rem3A, %ne3A_14 : i32
    %and3A = arith.andi %ne3A, %ne3A_15 : i1
    %sub3A = arith.constant 1 : i32
    %sub3A_16 = arith.subi %div3A, %sub3A : i32
    %select_n3A = arith.select %and3A, %sub3A_16, %div3A : i32
    %get3A_17 = arith.index_cast %select_n3A : i32 to index
    %get3A_18 = arith.constant 0 : index
    %get3A_19 = arith.constant 0 : index
    %get3A_20 = vector.load %arg4[%get3A_17, %get3A_18, %get3A_19] : memref<2x8192x128xf32, #tpu.memory_space<vmem>>, vector<1x8192x128xf32>
    %get3A_21 = vector.shape_cast %get3A_20 : vector<1x8192x128xf32> to vector<8192x128xf32>
    %get3A_22 = arith.constant 0 : index
    %get3A_23 = arith.constant 0 : index
    %get3A_24 = vector.load %arg5[%get3A_22, %get3A_23] : memref<256x128xf32, #tpu.memory_space<vmem>>, vector<256x128xf32>
    %dot_general3A = arith.constant dense<0.000000e+00> : vector<256x8192xf32>
    %dot_general3A_25 = tpu.matmul %get3A_24, %get3A_21, %dot_general3A {dimension_numbers = #tpu.dot_dimension_numbers<[1], [1], [0], [0], [0, 0, 1, 0], [], []>, transpose_lhs_hint = false} : vector<256x128xf32>, vector<8192x128xf32>, vector<256x8192xf32> -> vector<256x8192xf32>
    %jit3A_26 = arith.constant 2 : i32
    %eq3A = arith.constant 0 : i32
    %eq3A_27 = arith.cmpi eq, %jit3A_26, %eq3A : i32
    %jit3A_28 = arith.constant 1 : i32
    %select_n3A_29 = arith.select %eq3A_27, %jit3A_28, %jit3A_26 : i32
    %rem3A_30 = arith.remsi %get3A_0, %select_n3A_29 : i32
    %ne3A_31 = arith.constant 0 : i32
    %ne3A_32 = arith.cmpi ne, %rem3A_30, %ne3A_31 : i32
    %lt3A = arith.constant 0 : i32
    %lt3A_33 = arith.cmpi slt, %rem3A_30, %lt3A : i32
    %lt3A_34 = arith.constant 0 : i32
    %lt3A_35 = arith.cmpi slt, %select_n3A_29, %lt3A_34 : i32
    %ne3A_36 = arith.xori %lt3A_33, %lt3A_35 : i1
    %and3A_37 = arith.andi %ne3A_36, %ne3A_32 : i1
    %add3A = arith.addi %rem3A_30, %select_n3A_29 : i32
    %select_n3A_38 = arith.select %and3A_37, %add3A, %rem3A_30 : i32
    %eq3A_39 = arith.constant 0 : i32
    %eq3A_40 = arith.cmpi eq, %select_n3A_38, %eq3A_39 : i32
    %slice3A = vector.extract_strided_slice %dot_general3A_25 {offsets = [0, 0], sizes = [128, 8192], strides = [1, 1]} : vector<256x8192xf32> to vector<128x8192xf32>
    %slice3A_41 = vector.extract_strided_slice %dot_general3A_25 {offsets = [128, 0], sizes = [128, 8192], strides = [1, 1]} : vector<256x8192xf32> to vector<128x8192xf32>
    %select_n3A_42 = arith.select %eq3A_40, %slice3A, %slice3A_41 : vector<128x8192xf32>
    %get3A_43 = arith.constant 0 : index
    %get3A_44 = arith.constant 0 : index
    %get3A_45 = vector.load %arg6[%get3A_43, %get3A_44] : memref<128x128xf32, #tpu.memory_space<vmem>>, vector<128x1xf32>
    %add3A_46 = vector.broadcast %get3A_45 : vector<128x1xf32> to vector<128x8192xf32>
    %add3A_47 = arith.addf %select_n3A_42, %add3A_46 : vector<128x8192xf32>
    %get3A_48 = arith.constant 0 : index
    %get3A_49 = arith.constant 0 : index
    %get3A_50 = arith.constant 0 : index
    %get3A_51 = arith.constant 0 : index
    %get3A_52 = arith.constant 0 : index
    %get3A_53 = vector.load %arg3[%get3A_48, %get3A_49, %get3A_50, %get3A_51, %get3A_52] : memref<1x1x1x64x8192xf32, #tpu.memory_space<vmem>>, vector<1x1x1x64x8192xf32>
    %get3A_54 = vector.shape_cast %get3A_53 : vector<1x1x1x64x8192xf32> to vector<64x8192xf32>
    %slice3A_55 = vector.extract_strided_slice %add3A_47 {offsets = [0, 0], sizes = [64, 8192], strides = [1, 1]} : vector<128x8192xf32> to vector<64x8192xf32>
    %mul3A = arith.mulf %get3A_54, %slice3A_55 : vector<64x8192xf32>
    %slice3A_56 = vector.extract_strided_slice %add3A_47 {offsets = [64, 0], sizes = [64, 8192], strides = [1, 1]} : vector<128x8192xf32> to vector<64x8192xf32>
    %add3A_57 = arith.addf %mul3A, %slice3A_56 : vector<64x8192xf32>
    %swap3A = arith.constant 0 : index
    %swap3A_58 = arith.constant 0 : index
    %swap3A_59 = arith.constant 0 : index
    %swap3A_60 = arith.constant 0 : index
    %swap3A_61 = arith.constant 0 : index
    %swap3A_62 = vector.load %arg8[%swap3A, %swap3A_58, %swap3A_59, %swap3A_60, %swap3A_61] : memref<1x1x1x64x8192xf32, #tpu.memory_space<vmem>>, vector<1x1x1x64x8192xf32>
    %swap3A_63 = vector.shape_cast %swap3A_62 : vector<1x1x1x64x8192xf32> to vector<64x8192xf32>
    %swap3A_64 = vector.shape_cast %add3A_57 : vector<64x8192xf32> to vector<1x1x1x64x8192xf32>
    tpu.vector_store %arg8[%swap3A, %swap3A_58, %swap3A_59, %swap3A_60, %swap3A_61], %swap3A_64 {strides = array<i32>} : memref<1x1x1x64x8192xf32, #tpu.memory_space<vmem>>, vector<1x1x1x64x8192xf32>,
    return
  }
  func.func @transform_0(%arg0: i32, %arg1: i32, %arg2: memref<8xi32, #tpu.memory_space<smem>>) -> (i32, i32, i32, i32, i32) {
    %jit3A = arith.constant 4 : i32
    %div3A = arith.divsi %arg1, %jit3A : i32
    %sign3A = arith.constant 0 : i32
    %sign3A_0 = arith.cmpi sgt, %arg1, %sign3A : i32
    %sign3A_1 = arith.extui %sign3A_0 : i1 to i32
    %sign3A_2 = arith.constant 0 : i32
    %sign3A_3 = arith.cmpi slt, %arg1, %sign3A_2 : i32
    %sign3A_4 = arith.extui %sign3A_3 : i1 to i32
    %sign3A_5 = arith.subi %sign3A_1, %sign3A_4 : i32
    %sign3A_6 = arith.constant 0 : i32
    %sign3A_7 = arith.cmpi sgt, %jit3A, %sign3A_6 : i32
    %sign3A_8 = arith.extui %sign3A_7 : i1 to i32
    %sign3A_9 = arith.constant 0 : i32
    %sign3A_10 = arith.cmpi slt, %jit3A, %sign3A_9 : i32
    %sign3A_11 = arith.extui %sign3A_10 : i1 to i32
    %sign3A_12 = arith.subi %sign3A_8, %sign3A_11 : i32
    %ne3A = arith.cmpi ne, %sign3A_5, %sign3A_12 : i32
    %rem3A = arith.remsi %arg1, %jit3A : i32
    %ne3A_13 = arith.constant 0 : i32
    %ne3A_14 = arith.cmpi ne, %rem3A, %ne3A_13 : i32
    %and3A = arith.andi %ne3A, %ne3A_14 : i1
    %sub3A = arith.constant 1 : i32
    %sub3A_15 = arith.subi %div3A, %sub3A : i32
    %select_n3A = arith.select %and3A, %sub3A_15, %div3A : i32
    %jit3A_16 = arith.constant 4 : i32
    %eq3A = arith.constant 0 : i32
    %eq3A_17 = arith.cmpi eq, %jit3A_16, %eq3A : i32
    %jit3A_18 = arith.constant 1 : i32
    %select_n3A_19 = arith.select %eq3A_17, %jit3A_18, %jit3A_16 : i32
    %rem3A_20 = arith.remsi %arg1, %select_n3A_19 : i32
    %ne3A_21 = arith.constant 0 : i32
    %ne3A_22 = arith.cmpi ne, %rem3A_20, %ne3A_21 : i32
    %lt3A = arith.constant 0 : i32
    %lt3A_23 = arith.cmpi slt, %rem3A_20, %lt3A : i32
    %lt3A_24 = arith.constant 0 : i32
    %lt3A_25 = arith.cmpi slt, %select_n3A_19, %lt3A_24 : i32
    %ne3A_26 = arith.xori %lt3A_23, %lt3A_25 : i1
    %and3A_27 = arith.andi %ne3A_26, %ne3A_22 : i1
    %add3A = arith.addi %rem3A_20, %select_n3A_19 : i32
    %select_n3A_28 = arith.select %and3A_27, %add3A, %rem3A_20 : i32
    %add3A_29 = arith.constant 3 : i32
    %add3A_30 = arith.addi %add3A_29, %arg0 : i32
    %c0_i32 = arith.constant 0 : i32
    %c0_i32_31 = arith.constant 0 : i32
    %c0_i32_32 = arith.constant 0 : i32
    return %select_n3A, %c0_i32, %select_n3A_28, %c0_i32_31, %add3A_30 : i32, i32, i32, i32, i32
  }
  func.func @transform_1(%arg0: i32, %arg1: i32, %arg2: memref<8xi32, #tpu.memory_space<smem>>) -> (i32, i32, i32) {
    %c0_i32 = arith.constant 0 : i32
    %c0_i32_0 = arith.constant 0 : i32
    %c0_i32_1 = arith.constant 0 : i32
    return %c0_i32, %arg0, %c0_i32_0 : i32, i32, i32
  }
  func.func @transform_2(%arg0: i32, %arg1: i32, %arg2: memref<8xi32, #tpu.memory_space<smem>>) -> (i32, i32) {
    %c0_i32 = arith.constant 0 : i32
    %c0_i32_0 = arith.constant 0 : i32
    %c0_i32_1 = arith.constant 0 : i32
    return %c0_i32, %c0_i32_0 : i32, i32
  }
  func.func @transform_3(%arg0: i32, %arg1: i32, %arg2: memref<8xi32, #tpu.memory_space<smem>>) -> (i32, i32) {
    %c0_i32 = arith.constant 0 : i32
    %c0_i32_0 = arith.constant 0 : i32
    %c0_i32_1 = arith.constant 0 : i32
    return %c0_i32, %c0_i32_0 : i32, i32
  }
  func.func @transform_5(%arg0: i32, %arg1: i32, %arg2: memref<8xi32, #tpu.memory_space<smem>>) -> (i32, i32, i32, i32, i32) {
    %jit3A = arith.constant 4 : i32
    %div3A = arith.divsi %arg1, %jit3A : i32
    %sign3A = arith.constant 0 : i32
    %sign3A_0 = arith.cmpi sgt, %arg1, %sign3A : i32
    %sign3A_1 = arith.extui %sign3A_0 : i1 to i32
    %sign3A_2 = arith.constant 0 : i32
    %sign3A_3 = arith.cmpi slt, %arg1, %sign3A_2 : i32
    %sign3A_4 = arith.extui %sign3A_3 : i1 to i32
    %sign3A_5 = arith.subi %sign3A_1, %sign3A_4 : i32
    %sign3A_6 = arith.constant 0 : i32
    %sign3A_7 = arith.cmpi sgt, %jit3A, %sign3A_6 : i32
    %sign3A_8 = arith.extui %sign3A_7 : i1 to i32
    %sign3A_9 = arith.constant 0 : i32
    %sign3A_10 = arith.cmpi slt, %jit3A, %sign3A_9 : i32
    %sign3A_11 = arith.extui %sign3A_10 : i1 to i32
    %sign3A_12 = arith.subi %sign3A_8, %sign3A_11 : i32
    %ne3A = arith.cmpi ne, %sign3A_5, %sign3A_12 : i32
    %rem3A = arith.remsi %arg1, %jit3A : i32
    %ne3A_13 = arith.constant 0 : i32
    %ne3A_14 = arith.cmpi ne, %rem3A, %ne3A_13 : i32
    %and3A = arith.andi %ne3A, %ne3A_14 : i1
    %sub3A = arith.constant 1 : i32
    %sub3A_15 = arith.subi %div3A, %sub3A : i32
    %select_n3A = arith.select %and3A, %sub3A_15, %div3A : i32
    %jit3A_16 = arith.constant 4 : i32
    %eq3A = arith.constant 0 : i32
    %eq3A_17 = arith.cmpi eq, %jit3A_16, %eq3A : i32
    %jit3A_18 = arith.constant 1 : i32
    %select_n3A_19 = arith.select %eq3A_17, %jit3A_18, %jit3A_16 : i32
    %rem3A_20 = arith.remsi %arg1, %select_n3A_19 : i32
    %ne3A_21 = arith.constant 0 : i32
    %ne3A_22 = arith.cmpi ne, %rem3A_20, %ne3A_21 : i32
    %lt3A = arith.constant 0 : i32
    %lt3A_23 = arith.cmpi slt, %rem3A_20, %lt3A : i32
    %lt3A_24 = arith.constant 0 : i32
    %lt3A_25 = arith.cmpi slt, %select_n3A_19, %lt3A_24 : i32
    %ne3A_26 = arith.xori %lt3A_23, %lt3A_25 : i1
    %and3A_27 = arith.andi %ne3A_26, %ne3A_22 : i1
    %add3A = arith.addi %rem3A_20, %select_n3A_19 : i32
    %select_n3A_28 = arith.select %and3A_27, %add3A, %rem3A_20 : i32
    %add3A_29 = arith.constant 3 : i32
    %add3A_30 = arith.addi %add3A_29, %arg0 : i32
    %c0_i32 = arith.constant 0 : i32
    %c0_i32_31 = arith.constant 0 : i32
    %c0_i32_32 = arith.constant 0 : i32
    return %select_n3A, %c0_i32, %select_n3A_28, %c0_i32_31, %add3A_30 : i32, i32, i32, i32, i32
  }
}

</mosaic_0001>

<sc_bundles>
// kernel: kernel.10.cloned.1.call-start
scs
__scs_entry_jumppad:
0x0: {  	(pc) =	sbr.rel $0x88, $3  }
0x1: {  	(tag) =	ssettag $0x0;
	lr =	simm.s32 $0x1  }
0x2: {  	[smem:$0x3F9B] =	sst lr;
	_ =	strace $0xD0000000  }
0x3: {  	_ = 	snop  }
0x4: {  	_ = 	snop  }
0x5: {  	_ = 	snop  }
0x6: {  	_ = 	snop  }
0x7: {  	_ = 	snop  }
__scs_overlays_trampoline_lowered:
0x8: {  	[smem:$0x3FAA] =	sst s0  }
0x9: {  	[smem:$0x3FAB] =	sst s1  }
0xa: {  	[smem:$0x3FAC] =	sst s2  }
0xb: {  	[smem:$0x3FAD] =	sst s3  }
0xc: {  	[smem:$0x3FAE] =	sst s4  }
0xd: {  	[smem:$0x3FAF] =	sst s5  }
0xe: {  	[smem:$0x3FB0] =	sst s6  }
0xf: {  	[smem:$0x3FB1] =	sst s7  }
0x10: {  	[smem:$0x3FB2] =	sst s8  }
0x11: {  	[smem:$0x3FB3] =	sst s9;
	s0 =	simm.s32 @!p0 $0x0  }
0x12: {  	s1 =	sld [smem:$0x3F99];
	s0 =	simm.s32 @p0 $0x1  }
0x13: {  	[smem:$0x3FB4] =	sst s0;
	s0 =	simm.s32 @!p1 $0x0  }
0x14: {  	s2 =	sld [smem:$0x3F98];
	s0 =	simm.s32 @p1 $0x1  }
0x15: {  	[smem:$0x3FB5] =	sst s0;
	s0 =	simm.s32 @!p2 $0x0  }
0x16: {  	s3 =	sld [smem:$0x3FDB];
	s0 =	simm.s32 @p2 $0x1  }
0x17: {  	s4 =	simm.s32 $0x1BF5;
	[smem:$0x3FB7] =	sst s0  }
0x18: {  	s0 =	sld [smem:$0x3F9A];
	_ =	swait.ge [sflag:s4], $0x0  }
0x19: {  	s7 =	sld [smem:$0x3F9B]  }
0x1a: {  	s8 =	sadd.s32 $0xFFFFE003, lr  }
0x1b: {  	s9 =	sadd.s32 $0xFFFFFEF7, lr;
	s5 =	simm.s32 $0xFFFFFFFF;
	p2 =	slt.u32 s8, $0xFFFFF086  }
0x1c: {  	p1 =	slt.u32 s9, $0xF7A;
	s5 =	simm.s32 @!p2 $0x0  }
0x1d: {  	s5 =	simm.s32 @p1 $0x1;
	p0 =	seq.s32 s7, s2  }
0x1e: {  	s7 =	smul.u32 @!p0 $0xF7A, s2;
	p2 =	seq.s32 @!p0 s5, $0x0  }
0x1f: {  	s9 =	smul.u32 $0xF7A, s1;
	s8 =	simm.s32 @!p0 $0x1BF5;
	p2 =	por !p2, p0  }
0x20: {  	[sflag:s8] =	ssyncset.s32 @!p0 $0xFFFFF086;
	s6 =	sadd.s32 @!p0 s3, s7;
	s7 =	simm.s32 @!p0 $0x108  }
0x21: {  	s3 =	sadd.s32 s3, s9;
	s6 =	sadd.s32 @!p0 $0x88, s6;
	s7 =	simm.s32 @p2 $0x1082  }
0x22: {  	[simem:s7], [sflag:s8] =	dma.local @!p0 [hbm:s6], $0xF7A  }
0x23: {  	s9 =	sor.u32 $0xD0000000, s2;
	s6 =	simm.s32 $0x108;
	_ =	swait.ge @!p0 [sflag:s8], $0x0  }
0x24: {  	s3 =	sadd.s32 $0x88, s3;
	s6 =	simm.s32 @!p1 $0x1082;
	[sflag:s4] =	ssyncset.s32 $0xFFFFF086  }
0x25: {  	[simem:s6], [sflag:s4] =	dma.local [hbm:s3], $0xF7A  }
0x26: {  	[smem:$0x3F9B] =	sst s1;
	(tag) =	ssettag s2;
	_ =	strace s9  }
0x27: {  	s1 =	sld [smem:$0x3FAB]  }
0x28: {  	s2 =	sld [smem:$0x3FAC]  }
0x29: {  	s4 =	sld [smem:$0x3FAE]  }
0x2a: {  	p0 =	seq.s32 s5, $0x0;
	s5 =	sld [smem:$0x3FAF]  }
0x2b: {  	s6 =	sld [smem:$0x3FB0]  }
0x2c: {  	s7 =	sld [smem:$0x3FB1]  }
0x2d: {  	s3 =	simm.s32 $0x108;
	s8 =	sld [smem:$0x3FB2]  }
0x2e: {  	s3 =	simm.s32 @!p0 $0x1082;
	s9 =	sld [smem:$0x3FB3]  }
0x2f: {  	lr =	sadd.s32 s0, s3;
	s0 =	sld [smem:$0x3FAA]  }
0x30: {  	s3 =	sld [smem:$0x3FAD]  }
0x31: {  	[smem:$0x3FB6] =	sst s10  }
0x32: {  	s10 =	sld [smem:$0x3FB4];
	_ =	sdelay $0x3  }
0x33: {  	p0 =	seq.s32 s10, $0x1;
	s10 =	sld [smem:$0x3FB6];
	_ =	sdelay $0x3  }
0x34: {  	[smem:$0x3FB6] =	sst s10  }
0x35: {  	s10 =	sld [smem:$0x3FB5];
	_ =	sdelay $0x3  }
0x36: {  	p1 =	seq.s32 s10, $0x1;
	s10 =	sld [smem:$0x3FB6];
	_ =	sdelay $0x3  }
0x37: {  	[smem:$0x3FB6] =	sst s10  }
0x38: {  	s10 =	sld [smem:$0x3FB7]  }
0x39: {  	_ = 	snop;
	(pc) =	sbr.ind lr, $3  }
0x3a: {  	_ = 	snop  }
0x3b: {  	_ = 	snop  }
0x3c: {  	p2 =	seq.s32 s10, $0x1;
	s10 =	sld [smem:$0x3FB6]  }
0x3d: {  	_ =	shalt  }
0x3e: {  	_ =	shalt  }
0x3f: {  	_ =	shalt  }
0x40: {  	_ =	shalt  }
0x41: {  	_ =	shalt  }
0x42: {  	_ =	shalt  }
0x43: {  	_ =	shalt  }
0x44: {  	_ =	shalt  }
0x45: {  	_ =	shalt  }
0x46: {  	_ =	shalt  }
0x47: {  	_ =	shalt  }
0x48: {  	_ =	shalt  }
0x49: {  	_ =	shalt  }
0x4a: {  	_ =	shalt  }
0x4b: {  	_ =	shalt  }
0x4c: {  	_ =	shalt  }
0x4d: {  	_ =	shalt  }
0x4e: {  	_ =	shalt  }
0x4f: {  	_ =	shalt  }
0x50: {  	_ =	shalt  }
0x51: {  	_ =	shalt  }
0x52: {  	_ =	shalt  }
0x53: {  	_ =	shalt  }
0x54: {  	_ =	shalt  }
0x55: {  	_ =	shalt  }
0x56: {  	_ =	shalt  }
0x57: {  	_ =	shalt  }
0x58: {  	_ =	shalt  }
0x59: {  	_ =	shalt  }
0x5a: {  	_ =	shalt  }
0x5b: {  	_ =	shalt  }
0x5c: {  	_ =	shalt  }
0x5d: {  	_ =	shalt  }
0x5e: {  	_ =	shalt  }
0x5f: {  	_ =	shalt  }
0x60: {  	_ =	shalt  }
0x61: {  	_ =	shalt  }
0x62: {  	_ =	shalt  }
0x63: {  	_ =	shalt  }
0x64: {  	_ =	shalt  }
0x65: {  	_ =	shalt  }
0x66: {  	_ =	shalt  }
0x67: {  	_ =	shalt  }
0x68: {  	_ =	shalt  }
0x69: {  	_ =	shalt  }
0x6a: {  	_ =	shalt  }
0x6b: {  	_ =	shalt  }
0x6c: {  	_ =	shalt  }
0x6d: {  	_ =	shalt  }
0x6e: {  	_ =	shalt  }
0x6f: {  	_ =	shalt  }
0x70: {  	_ =	shalt  }
0x71: {  	_ =	shalt  }
0x72: {  	_ =	shalt  }
0x73: {  	_ =	shalt  }
0x74: {  	_ =	shalt  }
0x75: {  	_ =	shalt  }
0x76: {  	_ =	shalt  }
0x77: {  	_ =	shalt  }
0x78: {  	_ =	shalt  }
0x79: {  	_ =	shalt  }
0x7a: {  	_ =	shalt  }
0x7b: {  	_ =	shalt  }
0x7c: {  	_ =	shalt  }
0x7d: {  	_ =	shalt  }
0x7e: {  	_ =	shalt  }
0x7f: {  	_ =	shalt  }
0x80: {  	_ =	shalt  }
0x81: {  	_ =	shalt  }
0x82: {  	_ =	shalt  }
0x83: {  	_ =	shalt  }
0x84: {  	_ =	shalt  }
0x85: {  	_ =	shalt  }
0x86: {  	_ =	shalt  }
0x87: {  	_ =	shalt  }
.Lfunc_end0:
.L_simem_size_0:
called_computation.1_lowered:
.L_overlay_start_0:
0x88: {  	s2 =	sld [smem:$0x3FD9]  }
0x89: {  	s3 =	sld [smem:$0x3FFE];
	_ =	sdelay $0x1  }
0x8a: {  	s1 =	srdreg.scid  }
0x8b: {  	s0 =	sand.u32 $0x1, s1  }
0x8c: {  	s17 =	sshll.u32 s0, $0xA;
	s2 =	sadd.s32 s3, s2  }
0x8d: {  	s2 =	sadd.s32 s2, s17  }
0x8e: {  	[smem:$0x3FC2] =	sst s2  }
0x8f: {  	_ = 	snop  }
0x90: {  	(tm) =	ssettm $0x1  }
0x91: {  	s18 =	sld [smem:$0x3FFB];
	_ =	sdelay $0x3  }
0x92: {  	_ =	strace s18  }
0x93: {  	s2 =	sld [smem:$0x3FFC];
	_ =	sdelay $0x3  }
0x94: {  	_ =	strace s2  }
0x95: {  	s2 =	sld [smem:$0x3FFD];
	_ =	sdelay $0x3  }
0x96: {  	_ =	strace s2  }
0x97: {  	_ =	strace $0x8FFFFFFF  }
0x98: {  	s19 =	sld [smem:$0x3FDB];
	_ =	sdelay $0x1  }
0x99: {  	s20 =	simm.s32 $_scs_section_size  }
0x9a: {  	s4 =	simm.s32 $_size__tile_overlayer_lowered;
	s5 =	simm.s32 $_tile_overlayer_lowered  }
0x9b: {  	s6 =	simm.s32 $0x1BFF;
	s21 =	sshll.u32 s5, $0x1;
	s3 =	sadd.s32 s20, s19  }
0x9c: {  	s22 =	simm.s32 $0x0;
	s4 =	sshll.u32 s4, $0x1;
	s5 =	sadd.s32 s21, s3  }
0x9d: {  	[timem:s22], [sflag:s6] =	dma.local [hbm:s5], s4  }
0x9e: {  	_ =	swait.ge [sflag:s6], s4  }
0x9f: {  	s4 =	ssub.s32 $0x0, s4;
	[sflag:s6] =	ssyncset.done $0x0  }
0xa0: {  	[sflag:s6] =	ssyncadd.s32 s4;
	_ =	sdelay $0x1  }
0xa1: {  	s23 =	simm.s32 $0x1B8B  }
0xa2: {  	_ =	swait.ge [sflag:s23], $0x1  }
0xa3: {  	[sflag:s23] =	ssyncset.done $0x0  }
0xa4: {  	[sflag:s23] =	ssyncadd.s32 $0xFFFFFFFF  }
0xa5: {  	s4 =	sld [smem:$0x0]  }
0xa6: {  	s5 =	sand.u32 $0xFFFFFFFE, s1  }
0xa7: {  	p0 =	sne.s32 s1, s5  }
0xa8: {  	s5 =	sshll.u32 @p0 s5, $0xE  }
0xa9: {  	s5 =	sadd.s32 @p0 $0x11B8D, s5;
	s6 =	sshll.u32 @p0 s4, $0x11  }
0xaa: {  	s5 =	sor.u32 @p0 s6, s5  }
0xab: {  	[sflag:s5] =	ssyncadd.remote.s32 @p0 $0x1;
	_ =	sdelay $0x1  }
0xac: {  	s5 =	simm.s32 @p0 $0x1B8D  }
0xad: {  	_ =	swait.eq @p0 [sflag:s5], $0x1  }
0xae: {  	[sflag:s5] =	ssyncadd.s32 @p0 $0xFFFFFFFF  }
0xaf: {  	s6 =	sshll.u32 @!p0 s1, $0xE  }
0xb0: {  	s6 =	sor.u32 @!p0 $0x4000, s6;
	s5 =	simm.s32 @!p0 $0x1B8D  }
0xb1: {  	s4 =	sshll.u32 @!p0 s4, $0x11;
	s6 =	sadd.s32 @!p0 $0x11B8D, s6;
	_ =	swait.eq @!p0 [sflag:s5], $0x1  }
0xb2: {  	s4 =	sor.u32 @!p0 s4, s6;
	[sflag:s5] =	ssyncadd.s32 @!p0 $0xFFFFFFFF  }
0xb3: {  	s25 =	simm.s32 $0x1B8E;
	s24 =	sld [smem:$0x3FFE];
	[sflag:s4] =	ssyncadd.remote.s32 @!p0 $0x1  }
0xb4: {  	s26 =	simm.s32 $execute0_lowered;
	[smem:$0x3FD2] =	sst s25  }
0xb5: {  	s5 =	sshll.u32 s26, $0x1;
	_ =	strace $0x80000049;
	[dreg:$0x1] =	wrdreg $0xFFFFFFFF  }
0xb6: {  	s28 =	simm.s32 $_size_execute0_lowered;
	s3 =	sadd.s32 s3, s5;
	[dreg:$0x0] =	wrdreg $0x0  }
0xb7: {  	s5 =	sshll.u32 s28, $0x1;
	[dreg:$0x2] =	wrdreg s3  }
0xb8: {  	[dreg:$0x3] =	wrdreg s5  }
0xb9: {  	[dreg:$0x4] =	wrdreg $0xC0  }
0xba: {  	_ =	task [dreg:s22], $0x5FFFF  }
0xbb: {  	[dreg:$0x1] =	wrdreg $0xFFFFFFFF  }
0xbc: {  	[dreg:$0x0] =	wrdreg $0x60  }
0xbd: {  	[dreg:$0x2] =	wrdreg s24  }
0xbe: {  	[dreg:$0x3] =	wrdreg $0xA  }
0xbf: {  	_ =	task.clear_ibuf [dreg:s22], $0x4FFFF;
	_ =	strace $0x90000049  }
0xc0: {  	s29 =	simm.s32 $0xA;
	_ =	strace $0x8000004B  }
0xc1: {  	_ =	swait.ge [sflag:s29], $0x1  }
0xc2: {  	[sflag:s29] =	ssyncadd.s32 $0xFFFFFFFF  }
0xc3: {  	_ =	strace $0x9000004B  }
0xc4: {  	_ =	sfence  }
0xc5: {  	s30 =	sld [smem:$0x0];
	_ =	sdelay $0x2  }
0xc6: {  	s31 =	sshll.u32 s1, $0xD;
	s1 =	sshrl.u32 s1, $0x2  }
0xc7: {  	s4 =	sand.u32 $0x4000, s31;
	s1 =	sadd.s32 s1, s30  }
0xc8: {  	s0 =	sor.u32 s4, s0;
	s1 =	sshll.u32 s1, $0x11  }
0xc9: {  	s0 =	sor.u32 s1, s0  }
0xca: {  	s0 =	sadd.s32 $0x8F2B, s0  }
0xcb: {  	[sflag:s0] =	ssyncadd.remote.s32 $0x1  }
0xcc: {  	_ =	sfence.sel $0xFFFF  }
0xcd: {  	[dreg:$0x0] =	wrdreg $0xFFFFFFFF;
	(pc) =	sbr.abs _section_cstart, $3  }
0xce: {  	[dreg:$0x1] =	wrdreg $0xFFFFFFFF  }
0xcf: {  	_ =	task.clear_ibuf [dreg:s22], $0x2FFFF;
	_ =	strace $0x9FFFFFFF  }
0xd0: {  	(tm) =	ssettm $0x7FFFFFFF  }
0xd1: {  	_ =	shalt  }
tec
execute0_lowered:
.L_overlay_start_1:
0x0: {  	(tag) =	ssettag $0x1  }
0x1: {  	s0 =	srdreg.scid  }
0x2: {  	s15 =	stileid.u32;
	s5 =	rddreg [dreg:$0x0];
	s23 =	simm.s32 $0x0  }
0x3: {  	s19 =	simm.s32 $0x100;
	s20 =	simm.s32 $0x180;
	s8 =	simm.s32 $0x2C00  }
0x4: {  	s21 =	simm.s32 $0x200;
	s9 =	simm.s32 $0x4C00;
	s22 =	simm.s32 $0x280  }
0x5: {  	s10 =	simm.s32 $0x6C00;
	s24 =	simm.s32 $0x300;
	s11 =	simm.s32 $0x8C00  }
0x6: {  	s25 =	simm.s32 $0x380;
	s12 =	simm.s32 $0xAC00;
	s13 =	simm.s32 $0xCC00  }
0x7: {  	s6 =	simm.s32 $0x1;
	s26 =	simm.s32 $0x400;
	s7 =	simm.s32 $0x40  }
0x8: {  	s28 =	simm.s32 $0x580;
	s29 =	simm.s32 $0x600;
	[smem:$0x7FF] =	sst s23  }
0x9: {  	s30 =	simm.s32 $0x680;
	_ =	strace $0x8000004A;
	[dreg:$0x6] =	wrdreg s19  }
0xa: {  	s31 =	simm.s32 $0x700;
	p0 =	por $0x0, $0x0;
	[dreg:$0x7] =	wrdreg s20  }
0xb: {  	s0 =	sand.u32 $0x1, s0;
	s1 =	sshll.u32 s15, $0x1;
	[dreg:$0x8] =	wrdreg s21  }
0xc: {  	s2 =	sshrl.u32 s15, $0x3;
	s4 =	sshll.u32 s15, $0x4;
	[dreg:$0x9] =	wrdreg s22  }
0xd: {  	s1 =	sor.u32 s0, s1;
	s2 =	smul.u32 $0x300000, s2;
	[dreg:$0xa] =	wrdreg s24  }
0xe: {  	s4 =	sand.u32 $0x40, s4;
	s0 =	ssub.s32 $0x2, s0;
	[dreg:$0xb] =	wrdreg s25  }
0xf: {  	[dreg:$0xc] =	wrdreg s26;
	s25 =	simm.s32 $0x480;
	s26 =	simm.s32 $0x500  }
0x10: {  	s19 =	simm.s32 $0x980;
	s20 =	simm.s32 $0xA00;
	s21 =	simm.s32 $0xA80  }
0x11: {  	s22 =	simm.s32 $0xB00;
	s3 =	sand.u32 $0x7, s1;
	s1 =	smul.u32 $0x180, s1  }
0x12: {  	s24 =	simm.s32 $0xB80;
	s16 =	sshrl.u32 s0, $0x1;
	s3 =	smul.u32 $0x60000, s3  }
0x13: {  	s2 =	sor.u32 s2, s4;
	s0 =	ssub.s32 s0, s16;
	s4 =	simm.s32 $0xC00  }
0x14: {  	s1 =	sadd.s32 s1, s5;
	s0 =	smax.u32 s0, $0x1;
	s2 =	sadd.s32 s3, s2  }
0x15: {  	s1 =	sadd.s32 $0x300C00, s1;
	p1 =	sne.s32 s0, $0x1;
	s2 =	sshrl.u32 s2, $0x3  }
0x16: {  	[dreg:$0x2] =	wrdreg s1;
	s1 =	sadd.s32 $0xFFFFFFFF, s0;
	s2 =	sadd.s32 s2, s5  }
.Ltmp0:
0x17: {  	s0 =	rddreg [dreg:$0x2];
	s14 =	sadd.s32 $0x3C3C00, s2;
	(pc) =	sbr.rel @!p1 .LBB2_1-.Ltmp0, $4  }
0x18: {  	s16 =	simm.s32 $0x780;
	s17 =	sadd.s32 $0x3C7C00, s2;
	[dreg:$0x3] =	wrdreg s14  }
0x19: {  	s3 =	simm.s32 $0x80;
	s18 =	sadd.s32 $0x3CBC00, s2;
	[dreg:$0x4] =	wrdreg s17  }
0x1a: {  	s5 =	sadd.s32 $0xC00, s5;
	s2 =	simm.s32 $0x2;
	[dreg:$0x5] =	wrdreg s18  }
0x1b: {  	s14 =	simm.s32 $0xEC00;
	s17 =	simm.s32 $0x880;
	s18 =	simm.s32 $0x900  }
0x1c: {  	[tilespmem:s23], [sflag:$0x2] =	stream.linear.gather [hbm4b:s0+s23], $0xC00, $0x38;
	[tilespmem:$0x10C00] =	vst v63  }
0x1d: {  	_ =	swait.ge [sflag:s2], $0xC00  }
0x1e: {  	[sflag:s2] =	ssyncset.done $0x0  }
0x1f: {  	[sflag:s2] =	ssyncadd.s32 $0xFFFFF400  }
0x20: {  	[tilespmem:s4], [sflag:$0x1] =	stream.indirect.gather [hbm4b:s5+s3], $0x40, s23, s3, $0xb8;
	[tilespmem:$0x10C00] =	vst v63  }
0x21: {  	_ = 	snop  }
0x22: {  	[tilespmem:s8], [sflag:$0x1] =	stream.indirect.gather [hbm4b:s5+s3], $0x40, s3, s3, $0xb8;
	[tilespmem:$0x10C00] =	vst v63  }
0x23: {  	s0 =	rddreg [dreg:$0x6]  }
0x24: {  	[tilespmem:s9], [sflag:$0x1] =	stream.indirect.gather [hbm4b:s5+s3], $0x40, s0, s3, $0xb8;
	[tilespmem:$0x10C00] =	vst v63  }
0x25: {  	s15 =	smov.u32 s1;
	s1 =	rddreg [dreg:$0x7]  }
0x26: {  	[tilespmem:s10], [sflag:$0x1] =	stream.indirect.gather [hbm4b:s5+s3], $0x40, s1, s3, $0xb8;
	[tilespmem:$0x10C00] =	vst v63  }
0x27: {  	s0 =	rddreg [dreg:$0x8]  }
0x28: {  	[tilespmem:s11], [sflag:$0x1] =	stream.indirect.gather [hbm4b:s5+s3], $0x40, s0, s3, $0xb8;
	[tilespmem:$0x10C00] =	vst v63  }
0x29: {  	s1 =	rddreg [dreg:$0x9]  }
0x2a: {  	[tilespmem:s12], [sflag:$0x1] =	stream.indirect.gather [hbm4b:s5+s3], $0x40, s1, s3, $0xb8;
	[tilespmem:$0x10C00] =	vst v63  }
0x2b: {  	s0 =	rddreg [dreg:$0xa]  }
0x2c: {  	[tilespmem:s13], [sflag:$0x1] =	stream.indirect.gather [hbm4b:s5+s3], $0x40, s0, s3, $0xb8;
	[tilespmem:$0x10C00] =	vst v63  }
0x2d: {  	s1 =	rddreg [dreg:$0xb]  }
0x2e: {  	[tilespmem:s14], [sflag:$0x1] =	stream.indirect.gather [hbm4b:s5+s3], $0x40, s1, s3, $0xb8;
	[tilespmem:$0x10C00] =	vst v63  }
0x2f: {  	_ =	swait.ge [sflag:s6], $0x2000  }
0x30: {  	[sflag:s6] =	ssyncset.done $0x0  }
0x31: {  	[sflag:s6] =	ssyncadd.s32 $0xFFFFE000  }
0x32: {  	_ =	swait.ge [sflag:s6], $0x2000  }
0x33: {  	[sflag:s6] =	ssyncset.done $0x0  }
0x34: {  	[sflag:s6] =	ssyncadd.s32 $0xFFFFE000  }
0x35: {  	_ =	swait.ge [sflag:s6], $0x2000  }
0x36: {  	[sflag:s6] =	ssyncset.done $0x0  }
0x37: {  	[sflag:s6] =	ssyncadd.s32 $0xFFFFE000  }
0x38: {  	_ =	swait.ge [sflag:s6], $0x2000  }
0x39: {  	[sflag:s6] =	ssyncset.done $0x0  }
0x3a: {  	[sflag:s6] =	ssyncadd.s32 $0xFFFFE000  }
0x3b: {  	_ =	swait.ge [sflag:s6], $0x2000  }
0x3c: {  	[sflag:s6] =	ssyncset.done $0x0  }
0x3d: {  	[sflag:s6] =	ssyncadd.s32 $0xFFFFE000  }
0x3e: {  	_ =	swait.ge [sflag:s6], $0x2000  }
0x3f: {  	[sflag:s6] =	ssyncset.done $0x0  }
0x40: {  	[sflag:s6] =	ssyncadd.s32 $0xFFFFE000  }
0x41: {  	_ =	swait.ge [sflag:s6], $0x2000  }
0x42: {  	[sflag:s6] =	ssyncset.done $0x0  }
0x43: {  	[sflag:s6] =	ssyncadd.s32 $0xFFFFE000  }
0x44: {  	_ =	swait.ge [sflag:s6], $0x2000  }
0x45: {  	[sflag:s6] =	ssyncset.done $0x0  }
0x46: {  	s1 =	rddreg [dreg:$0x3];
	[sflag:s6] =	ssyncadd.s32 $0xFFFFE000  }
0x47: {  	[hbm4b:s1+s7] =	stream.strided.scatter [tilespmem:s4], [sflag:$0x2], $0x10000, s3, s7, $0x38;
	[tilespmem:$0x10C00] =	vst v63  }
0x48: {  	_ =	swait.ge [sflag:s2], $0x10000  }
0x49: {  	[sflag:s2] =	ssyncset.done $0x0  }
0x4a: {  	s1 =	rddreg [dreg:$0xc];
	[sflag:s2] =	ssyncadd.s32 $0xFFFF0000  }
0x4b: {  	[tilespmem:s4], [sflag:$0x1] =	stream.indirect.gather [hbm4b:s5+s3], $0x40, s1, s3, $0xb8;
	[tilespmem:$0x10C00] =	vst v63  }
0x4c: {  	_ = 	snop  }
0x4d: {  	[tilespmem:s8], [sflag:$0x1] =	stream.indirect.gather [hbm4b:s5+s3], $0x40, s25, s3, $0xb8;
	[tilespmem:$0x10C00] =	vst v63  }
0x4e: {  	_ = 	snop  }
0x4f: {  	[tilespmem:s9], [sflag:$0x1] =	stream.indirect.gather [hbm4b:s5+s3], $0x40, s26, s3, $0xb8;
	[tilespmem:$0x10C00] =	vst v63  }
0x50: {  	_ = 	snop  }
0x51: {  	[tilespmem:s10], [sflag:$0x1] =	stream.indirect.gather [hbm4b:s5+s3], $0x40, s28, s3, $0xb8;
	[tilespmem:$0x10C00] =	vst v63  }
0x52: {  	_ = 	snop  }
0x53: {  	[tilespmem:s11], [sflag:$0x1] =	stream.indirect.gather [hbm4b:s5+s3], $0x40, s29, s3, $0xb8;
	[tilespmem:$0x10C00] =	vst v63  }
0x54: {  	_ = 	snop  }
0x55: {  	[tilespmem:s12], [sflag:$0x1] =	stream.indirect.gather [hbm4b:s5+s3], $0x40, s30, s3, $0xb8;
	[tilespmem:$0x10C00] =	vst v63  }
0x56: {  	_ = 	snop  }
0x57: {  	[tilespmem:s13], [sflag:$0x1] =	stream.indirect.gather [hbm4b:s5+s3], $0x40, s31, s3, $0xb8;
	[tilespmem:$0x10C00] =	vst v63  }
0x58: {  	_ = 	snop  }
0x59: {  	[tilespmem:s14], [sflag:$0x1] =	stream.indirect.gather [hbm4b:s5+s3], $0x40, s16, s3, $0xb8;
	[tilespmem:$0x10C00] =	vst v63  }
0x5a: {  	_ =	swait.ge [sflag:s6], $0x2000  }
0x5b: {  	[sflag:s6] =	ssyncset.done $0x0  }
0x5c: {  	[sflag:s6] =	ssyncadd.s32 $0xFFFFE000  }
0x5d: {  	_ =	swait.ge [sflag:s6], $0x2000  }
0x5e: {  	[sflag:s6] =	ssyncset.done $0x0  }
0x5f: {  	[sflag:s6] =	ssyncadd.s32 $0xFFFFE000  }
0x60: {  	_ =	swait.ge [sflag:s6], $0x2000  }
0x61: {  	[sflag:s6] =	ssyncset.done $0x0  }
0x62: {  	[sflag:s6] =	ssyncadd.s32 $0xFFFFE000  }
0x63: {  	_ =	swait.ge [sflag:s6], $0x2000  }
0x64: {  	[sflag:s6] =	ssyncset.done $0x0  }
0x65: {  	[sflag:s6] =	ssyncadd.s32 $0xFFFFE000  }
0x66: {  	_ =	swait.ge [sflag:s6], $0x2000  }
0x67: {  	[sflag:s6] =	ssyncset.done $0x0  }
0x68: {  	[sflag:s6] =	ssyncadd.s32 $0xFFFFE000  }
0x69: {  	_ =	swait.ge [sflag:s6], $0x2000  }
0x6a: {  	[sflag:s6] =	ssyncset.done $0x0  }
0x6b: {  	[sflag:s6] =	ssyncadd.s32 $0xFFFFE000  }
0x6c: {  	_ =	swait.ge [sflag:s6], $0x2000  }
0x6d: {  	[sflag:s6] =	ssyncset.done $0x0  }
0x6e: {  	[sflag:s6] =	ssyncadd.s32 $0xFFFFE000  }
0x6f: {  	_ =	swait.ge [sflag:s6], $0x2000  }
0x70: {  	[sflag:s6] =	ssyncset.done $0x0  }
0x71: {  	s1 =	rddreg [dreg:$0x4];
	[sflag:s6] =	ssyncadd.s32 $0xFFFFE000  }
0x72: {  	[hbm4b:s1+s7] =	stream.strided.scatter [tilespmem:s4], [sflag:$0x2], $0x10000, s3, s7, $0x38;
	[tilespmem:$0x10C00] =	vst v63  }
0x73: {  	_ =	swait.ge [sflag:s2], $0x10000  }
0x74: {  	[sflag:s2] =	ssyncset.done $0x0  }
0x75: {  	s1 =	simm.s32 $0x800;
	[sflag:s2] =	ssyncadd.s32 $0xFFFF0000  }
0x76: {  	[tilespmem:s4], [sflag:$0x1] =	stream.indirect.gather [hbm4b:s5+s3], $0x40, s1, s3, $0xb8;
	[tilespmem:$0x10C00] =	vst v63  }
0x77: {  	_ = 	snop  }
0x78: {  	[tilespmem:s8], [sflag:$0x1] =	stream.indirect.gather [hbm4b:s5+s3], $0x40, s17, s3, $0xb8;
	[tilespmem:$0x10C00] =	vst v63  }
0x79: {  	_ = 	snop  }
0x7a: {  	[tilespmem:s9], [sflag:$0x1] =	stream.indirect.gather [hbm4b:s5+s3], $0x40, s18, s3, $0xb8;
	[tilespmem:$0x10C00] =	vst v63  }
0x7b: {  	_ = 	snop  }
0x7c: {  	[tilespmem:s10], [sflag:$0x1] =	stream.indirect.gather [hbm4b:s5+s3], $0x40, s19, s3, $0xb8;
	[tilespmem:$0x10C00] =	vst v63  }
0x7d: {  	_ = 	snop  }
0x7e: {  	[tilespmem:s11], [sflag:$0x1] =	stream.indirect.gather [hbm4b:s5+s3], $0x40, s20, s3, $0xb8;
	[tilespmem:$0x10C00] =	vst v63  }
0x7f: {  	_ = 	snop  }
0x80: {  	[tilespmem:s12], [sflag:$0x1] =	stream.indirect.gather [hbm4b:s5+s3], $0x40, s21, s3, $0xb8;
	[tilespmem:$0x10C00] =	vst v63  }
0x81: {  	_ = 	snop  }
0x82: {  	[tilespmem:s13], [sflag:$0x1] =	stream.indirect.gather [hbm4b:s5+s3], $0x40, s22, s3, $0xb8;
	[tilespmem:$0x10C00] =	vst v63  }
0x83: {  	_ = 	snop  }
0x84: {  	[tilespmem:s14], [sflag:$0x1] =	stream.indirect.gather [hbm4b:s5+s3], $0x40, s24, s3, $0xb8;
	[tilespmem:$0x10C00] =	vst v63  }
0x85: {  	_ =	swait.ge [sflag:s6], $0x2000  }
0x86: {  	[sflag:s6] =	ssyncset.done $0x0  }
0x87: {  	[sflag:s6] =	ssyncadd.s32 $0xFFFFE000  }
0x88: {  	_ =	swait.ge [sflag:s6], $0x2000  }
0x89: {  	[sflag:s6] =	ssyncset.done $0x0  }
0x8a: {  	[sflag:s6] =	ssyncadd.s32 $0xFFFFE000  }
0x8b: {  	_ =	swait.ge [sflag:s6], $0x2000  }
0x8c: {  	[sflag:s6] =	ssyncset.done $0x0  }
0x8d: {  	[sflag:s6] =	ssyncadd.s32 $0xFFFFE000  }
0x8e: {  	_ =	swait.ge [sflag:s6], $0x2000  }
0x8f: {  	[sflag:s6] =	ssyncset.done $0x0  }
0x90: {  	[sflag:s6] =	ssyncadd.s32 $0xFFFFE000  }
0x91: {  	_ =	swait.ge [sflag:s6], $0x2000  }
0x92: {  	[sflag:s6] =	ssyncset.done $0x0  }
0x93: {  	[sflag:s6] =	ssyncadd.s32 $0xFFFFE000  }
0x94: {  	_ =	swait.ge [sflag:s6], $0x2000  }
0x95: {  	[sflag:s6] =	ssyncset.done $0x0  }
0x96: {  	[sflag:s6] =	ssyncadd.s32 $0xFFFFE000  }
0x97: {  	_ =	swait.ge [sflag:s6], $0x2000  }
0x98: {  	[sflag:s6] =	ssyncset.done $0x0  }
0x99: {  	[sflag:s6] =	ssyncadd.s32 $0xFFFFE000  }
0x9a: {  	p1 =	sne.s32 s15, $0x1;
	_ =	swait.ge [sflag:s6], $0x2000  }
.Ltmp1:
0x9b: {  	[sflag:s6] =	ssyncset.done $0x0;
	(pc) =	sbr.rel @!p1 .LBB2_3-.Ltmp1, $4  }
0x9c: {  	s1 =	rddreg [dreg:$0x5];
	[sflag:s6] =	ssyncadd.s32 $0xFFFFE000  }
0x9d: {  	[hbm4b:s1+s7] =	stream.strided.scatter [tilespmem:s4], [sflag:$0x2], $0x10000, s3, s7, $0x38;
	[tilespmem:$0x10C00] =	vst v63  }
0x9e: {  	p0 =	por $0x1, $0x1;
	_ =	swait.ge [sflag:s2], $0x10000  }
0x9f: {  	s1 =	sadd.s32 $0xFFFFFFFF, s15;
	s0 =	rddreg [dreg:$0x2];
	[sflag:s2] =	ssyncset.done $0x0  }
.LBB2_4:
0xa0: {  	[sflag:s2] =	ssyncadd.s32 $0xFFFF0000  }
0xa1: {  	[tilespmem:s23], [sflag:$0x2] =	stream.linear.gather [hbm4b:s0+s23], $0xC00, $0x38;
	[tilespmem:$0x10C00] =	vst v63  }
0xa2: {  	_ =	swait.ge [sflag:s2], $0xC00  }
0xa3: {  	[sflag:s2] =	ssyncset.done $0x0  }
0xa4: {  	[sflag:s2] =	ssyncadd.s32 $0xFFFFF400  }
0xa5: {  	[tilespmem:s4], [sflag:$0x1] =	stream.indirect.gather [hbm4b:s5+s3], $0x40, s23, s3, $0xb8;
	[tilespmem:$0x10C00] =	vst v63  }
0xa6: {  	_ = 	snop  }
0xa7: {  	[tilespmem:s8], [sflag:$0x1] =	stream.indirect.gather [hbm4b:s5+s3], $0x40, s3, s3, $0xb8;
	[tilespmem:$0x10C00] =	vst v63  }
0xa8: {  	s0 =	rddreg [dreg:$0x6]  }
0xa9: {  	[tilespmem:s9], [sflag:$0x1] =	stream.indirect.gather [hbm4b:s5+s3], $0x40, s0, s3, $0xb8;
	[tilespmem:$0x10C00] =	vst v63  }
0xaa: {  	s15 =	rddreg [dreg:$0x7]  }
0xab: {  	[tilespmem:s10], [sflag:$0x1] =	stream.indirect.gather [hbm4b:s5+s3], $0x40, s15, s3, $0xb8;
	[tilespmem:$0x10C00] =	vst v63  }
0xac: {  	s0 =	rddreg [dreg:$0x8]  }
0xad: {  	[tilespmem:s11], [sflag:$0x1] =	stream.indirect.gather [hbm4b:s5+s3], $0x40, s0, s3, $0xb8;
	[tilespmem:$0x10C00] =	vst v63  }
0xae: {  	s15 =	rddreg [dreg:$0x9]  }
0xaf: {  	[tilespmem:s12], [sflag:$0x1] =	stream.indirect.gather [hbm4b:s5+s3], $0x40, s15, s3, $0xb8;
	[tilespmem:$0x10C00] =	vst v63  }
0xb0: {  	s0 =	rddreg [dreg:$0xa]  }
0xb1: {  	[tilespmem:s13], [sflag:$0x1] =	stream.indirect.gather [hbm4b:s5+s3], $0x40, s0, s3, $0xb8;
	[tilespmem:$0x10C00] =	vst v63  }
0xb2: {  	s15 =	rddreg [dreg:$0xb]  }
0xb3: {  	[tilespmem:s14], [sflag:$0x1] =	stream.indirect.gather [hbm4b:s5+s3], $0x40, s15, s3, $0xb8;
	[tilespmem:$0x10C00] =	vst v63  }
0xb4: {  	_ =	swait.ge [sflag:s6], $0x2000  }
0xb5: {  	[sflag:s6] =	ssyncset.done $0x0  }
0xb6: {  	[sflag:s6] =	ssyncadd.s32 $0xFFFFE000  }
0xb7: {  	_ =	swait.ge [sflag:s6], $0x2000  }
0xb8: {  	[sflag:s6] =	ssyncset.done $0x0  }
0xb9: {  	[sflag:s6] =	ssyncadd.s32 $0xFFFFE000  }
0xba: {  	_ =	swait.ge [sflag:s6], $0x2000  }
0xbb: {  	[sflag:s6] =	ssyncset.done $0x0  }
0xbc: {  	[sflag:s6] =	ssyncadd.s32 $0xFFFFE000  }
0xbd: {  	_ =	swait.ge [sflag:s6], $0x2000  }
0xbe: {  	[sflag:s6] =	ssyncset.done $0x0  }
0xbf: {  	[sflag:s6] =	ssyncadd.s32 $0xFFFFE000  }
0xc0: {  	_ =	swait.ge [sflag:s6], $0x2000  }
0xc1: {  	[sflag:s6] =	ssyncset.done $0x0  }
0xc2: {  	[sflag:s6] =	ssyncadd.s32 $0xFFFFE000  }
0xc3: {  	_ =	swait.ge [sflag:s6], $0x2000  }
0xc4: {  	[sflag:s6] =	ssyncset.done $0x0  }
0xc5: {  	[sflag:s6] =	ssyncadd.s32 $0xFFFFE000  }
0xc6: {  	_ =	swait.ge [sflag:s6], $0x2000  }
0xc7: {  	[sflag:s6] =	ssyncset.done $0x0  }
0xc8: {  	[sflag:s6] =	ssyncadd.s32 $0xFFFFE000  }
0xc9: {  	_ =	swait.ge [sflag:s6], $0x2000  }
0xca: {  	[sflag:s6] =	ssyncset.done $0x0  }
0xcb: {  	s15 =	rddreg [dreg:$0x3];
	[sflag:s6] =	ssyncadd.s32 $0xFFFFE000  }
0xcc: {  	[hbm4b:s15+s7] =	stream.strided.scatter [tilespmem:s4], [sflag:$0x2], $0x10000, s3, s7, $0x38;
	[tilespmem:$0x10C00] =	vst v63  }
0xcd: {  	_ =	swait.ge [sflag:s2], $0x10000  }
0xce: {  	[sflag:s2] =	ssyncset.done $0x0  }
0xcf: {  	s15 =	rddreg [dreg:$0xc];
	[sflag:s2] =	ssyncadd.s32 $0xFFFF0000  }
0xd0: {  	[tilespmem:s4], [sflag:$0x1] =	stream.indirect.gather [hbm4b:s5+s3], $0x40, s15, s3, $0xb8;
	[tilespmem:$0x10C00] =	vst v63  }
0xd1: {  	_ = 	snop  }
0xd2: {  	[tilespmem:s8], [sflag:$0x1] =	stream.indirect.gather [hbm4b:s5+s3], $0x40, s25, s3, $0xb8;
	[tilespmem:$0x10C00] =	vst v63  }
0xd3: {  	_ = 	snop  }
0xd4: {  	[tilespmem:s9], [sflag:$0x1] =	stream.indirect.gather [hbm4b:s5+s3], $0x40, s26, s3, $0xb8;
	[tilespmem:$0x10C00] =	vst v63  }
0xd5: {  	_ = 	snop  }
0xd6: {  	[tilespmem:s10], [sflag:$0x1] =	stream.indirect.gather [hbm4b:s5+s3], $0x40, s28, s3, $0xb8;
	[tilespmem:$0x10C00] =	vst v63  }
0xd7: {  	_ = 	snop  }
0xd8: {  	[tilespmem:s11], [sflag:$0x1] =	stream.indirect.gather [hbm4b:s5+s3], $0x40, s29, s3, $0xb8;
	[tilespmem:$0x10C00] =	vst v63  }
0xd9: {  	_ = 	snop  }
0xda: {  	[tilespmem:s12], [sflag:$0x1] =	stream.indirect.gather [hbm4b:s5+s3], $0x40, s30, s3, $0xb8;
	[tilespmem:$0x10C00] =	vst v63  }
0xdb: {  	_ = 	snop  }
0xdc: {  	[tilespmem:s13], [sflag:$0x1] =	stream.indirect.gather [hbm4b:s5+s3], $0x40, s31, s3, $0xb8;
	[tilespmem:$0x10C00] =	vst v63  }
0xdd: {  	_ = 	snop  }
0xde: {  	[tilespmem:s14], [sflag:$0x1] =	stream.indirect.gather [hbm4b:s5+s3], $0x40, s16, s3, $0xb8;
	[tilespmem:$0x10C00] =	vst v63  }
0xdf: {  	_ =	swait.ge [sflag:s6], $0x2000  }
0xe0: {  	[sflag:s6] =	ssyncset.done $0x0  }
0xe1: {  	[sflag:s6] =	ssyncadd.s32 $0xFFFFE000  }
0xe2: {  	_ =	swait.ge [sflag:s6], $0x2000  }
0xe3: {  	[sflag:s6] =	ssyncset.done $0x0  }
0xe4: {  	[sflag:s6] =	ssyncadd.s32 $0xFFFFE000  }
0xe5: {  	_ =	swait.ge [sflag:s6], $0x2000  }
0xe6: {  	[sflag:s6] =	ssyncset.done $0x0  }
0xe7: {  	[sflag:s6] =	ssyncadd.s32 $0xFFFFE000  }
0xe8: {  	_ =	swait.ge [sflag:s6], $0x2000  }
0xe9: {  	[sflag:s6] =	ssyncset.done $0x0  }
0xea: {  	[sflag:s6] =	ssyncadd.s32 $0xFFFFE000  }
0xeb: {  	_ =	swait.ge [sflag:s6], $0x2000  }
0xec: {  	[sflag:s6] =	ssyncset.done $0x0  }
0xed: {  	[sflag:s6] =	ssyncadd.s32 $0xFFFFE000  }
0xee: {  	_ =	swait.ge [sflag:s6], $0x2000  }
0xef: {  	[sflag:s6] =	ssyncset.done $0x0  }
0xf0: {  	[sflag:s6] =	ssyncadd.s32 $0xFFFFE000  }
0xf1: {  	_ =	swait.ge [sflag:s6], $0x2000  }
0xf2: {  	[sflag:s6] =	ssyncset.done $0x0  }
0xf3: {  	[sflag:s6] =	ssyncadd.s32 $0xFFFFE000  }
0xf4: {  	_ =	swait.ge [sflag:s6], $0x2000  }
0xf5: {  	[sflag:s6] =	ssyncset.done $0x0  }
0xf6: {  	s15 =	rddreg [dreg:$0x4];
	[sflag:s6] =	ssyncadd.s32 $0xFFFFE000  }
0xf7: {  	[hbm4b:s15+s7] =	stream.strided.scatter [tilespmem:s4], [sflag:$0x2], $0x10000, s3, s7, $0x38;
	[tilespmem:$0x10C00] =	vst v63  }
0xf8: {  	_ =	swait.ge [sflag:s2], $0x10000  }
0xf9: {  	[sflag:s2] =	ssyncset.done $0x0  }
0xfa: {  	s15 =	simm.s32 $0x800;
	[sflag:s2] =	ssyncadd.s32 $0xFFFF0000  }
0xfb: {  	[tilespmem:s4], [sflag:$0x1] =	stream.indirect.gather [hbm4b:s5+s3], $0x40, s15, s3, $0xb8;
	[tilespmem:$0x10C00] =	vst v63  }
0xfc: {  	_ = 	snop  }
0xfd: {  	[tilespmem:s8], [sflag:$0x1] =	stream.indirect.gather [hbm4b:s5+s3], $0x40, s17, s3, $0xb8;
	[tilespmem:$0x10C00] =	vst v63  }
0xfe: {  	_ = 	snop  }
0xff: {  	[tilespmem:s9], [sflag:$0x1] =	stream.indirect.gather [hbm4b:s5+s3], $0x40, s18, s3, $0xb8;
	[tilespmem:$0x10C00] =	vst v63  }
0x100: {  	_ = 	snop  }
0x101: {  	[tilespmem:s10], [sflag:$0x1] =	stream.indirect.gather [hbm4b:s5+s3], $0x40, s19, s3, $0xb8;
	[tilespmem:$0x10C00] =	vst v63  }
0x102: {  	_ = 	snop  }
0x103: {  	[tilespmem:s11], [sflag:$0x1] =	stream.indirect.gather [hbm4b:s5+s3], $0x40, s20, s3, $0xb8;
	[tilespmem:$0x10C00] =	vst v63  }
0x104: {  	_ = 	snop  }
0x105: {  	[tilespmem:s12], [sflag:$0x1] =	stream.indirect.gather [hbm4b:s5+s3], $0x40, s21, s3, $0xb8;
	[tilespmem:$0x10C00] =	vst v63  }
0x106: {  	_ = 	snop  }
0x107: {  	[tilespmem:s13], [sflag:$0x1] =	stream.indirect.gather [hbm4b:s5+s3], $0x40, s22, s3, $0xb8;
	[tilespmem:$0x10C00] =	vst v63  }
0x108: {  	_ = 	snop  }
0x109: {  	[tilespmem:s14], [sflag:$0x1] =	stream.indirect.gather [hbm4b:s5+s3], $0x40, s24, s3, $0xb8;
	[tilespmem:$0x10C00] =	vst v63  }
0x10a: {  	_ =	swait.ge [sflag:s6], $0x2000  }
0x10b: {  	[sflag:s6] =	ssyncset.done $0x0  }
0x10c: {  	[sflag:s6] =	ssyncadd.s32 $0xFFFFE000  }
0x10d: {  	_ =	swait.ge [sflag:s6], $0x2000  }
0x10e: {  	[sflag:s6] =	ssyncset.done $0x0  }
0x10f: {  	[sflag:s6] =	ssyncadd.s32 $0xFFFFE000  }
0x110: {  	_ =	swait.ge [sflag:s6], $0x2000  }
0x111: {  	[sflag:s6] =	ssyncset.done $0x0  }
0x112: {  	[sflag:s6] =	ssyncadd.s32 $0xFFFFE000  }
0x113: {  	_ =	swait.ge [sflag:s6], $0x2000  }
0x114: {  	[sflag:s6] =	ssyncset.done $0x0  }
0x115: {  	[sflag:s6] =	ssyncadd.s32 $0xFFFFE000  }
0x116: {  	_ =	swait.ge [sflag:s6], $0x2000  }
0x117: {  	[sflag:s6] =	ssyncset.done $0x0  }
0x118: {  	[sflag:s6] =	ssyncadd.s32 $0xFFFFE000  }
0x119: {  	_ =	swait.ge [sflag:s6], $0x2000  }
0x11a: {  	[sflag:s6] =	ssyncset.done $0x0  }
0x11b: {  	[sflag:s6] =	ssyncadd.s32 $0xFFFFE000  }
0x11c: {  	_ =	swait.ge [sflag:s6], $0x2000  }
0x11d: {  	[sflag:s6] =	ssyncset.done $0x0  }
0x11e: {  	[sflag:s6] =	ssyncadd.s32 $0xFFFFE000  }
0x11f: {  	p1 =	sne.s32 s1, $0x1;
	_ =	swait.ge [sflag:s6], $0x2000  }
.Ltmp2:
0x120: {  	[sflag:s6] =	ssyncset.done $0x0;
	(pc) =	sbr.rel @p1 .LBB2_4-.Ltmp2, $4  }
0x121: {  	s15 =	rddreg [dreg:$0x5];
	[sflag:s6] =	ssyncadd.s32 $0xFFFFE000  }
0x122: {  	[hbm4b:s15+s7] =	stream.strided.scatter [tilespmem:s4], [sflag:$0x2], $0x10000, s3, s7, $0x38;
	[tilespmem:$0x10C00] =	vst v63  }
0x123: {  	_ =	swait.ge [sflag:s2], $0x10000  }
0x124: {  	s1 =	sadd.s32 $0xFFFFFFFF, s1;
	s0 =	rddreg [dreg:$0x2];
	[sflag:s2] =	ssyncset.done $0x0  }
0x125: {  	s24 =	simm.s32 $0x780;
	s31 =	simm.s32 $0x700;
	s30 =	simm.s32 $0x680  }
0x126: {  	s29 =	simm.s32 $0x600;
	s28 =	simm.s32 $0x580;
	s26 =	simm.s32 $0x500  }
0x127: {  	s25 =	simm.s32 $0x480;
	s22 =	simm.s32 $0xB00;
	s21 =	simm.s32 $0xA80  }
0x128: {  	s20 =	simm.s32 $0xA00;
	s19 =	simm.s32 $0x980;
	s18 =	simm.s32 $0x900  }
0x129: {  	s17 =	simm.s32 $0x880;
	s16 =	simm.s32 $0x800;
	s15 =	stileid.u32  }
.LBB2_6:
0x12a: {  	[sflag:s2] =	ssyncadd.s32 @p0 $0xFFFF0000  }
0x12b: {  	[tilespmem:s23], [sflag:$0x2] =	stream.linear.gather [hbm4b:s0+s23], $0xC00, $0x38;
	[tilespmem:$0x10C00] =	vst v63  }
0x12c: {  	_ =	swait.ge [sflag:s2], $0xC00  }
0x12d: {  	[sflag:s2] =	ssyncset.done $0x0  }
0x12e: {  	[sflag:s2] =	ssyncadd.s32 $0xFFFFF400  }
0x12f: {  	[tilespmem:s4], [sflag:$0x1] =	stream.indirect.gather [hbm4b:s5+s3], $0x40, s23, s3, $0xb8;
	[tilespmem:$0x10C00] =	vst v63  }
0x130: {  	_ = 	snop  }
0x131: {  	[tilespmem:s8], [sflag:$0x1] =	stream.indirect.gather [hbm4b:s5+s3], $0x40, s3, s3, $0xb8;
	[tilespmem:$0x10C00] =	vst v63  }
0x132: {  	s23 =	rddreg [dreg:$0x6]  }
0x133: {  	[tilespmem:s9], [sflag:$0x1] =	stream.indirect.gather [hbm4b:s5+s3], $0x40, s23, s3, $0xb8;
	[tilespmem:$0x10C00] =	vst v63  }
0x134: {  	s1 =	rddreg [dreg:$0x7]  }
0x135: {  	[tilespmem:s10], [sflag:$0x1] =	stream.indirect.gather [hbm4b:s5+s3], $0x40, s1, s3, $0xb8;
	[tilespmem:$0x10C00] =	vst v63  }
0x136: {  	s0 =	rddreg [dreg:$0x8]  }
0x137: {  	[tilespmem:s11], [sflag:$0x1] =	stream.indirect.gather [hbm4b:s5+s3], $0x40, s0, s3, $0xb8;
	[tilespmem:$0x10C00] =	vst v63  }
0x138: {  	s23 =	rddreg [dreg:$0x9]  }
0x139: {  	[tilespmem:s12], [sflag:$0x1] =	stream.indirect.gather [hbm4b:s5+s3], $0x40, s23, s3, $0xb8;
	[tilespmem:$0x10C00] =	vst v63  }
0x13a: {  	s0 =	rddreg [dreg:$0xa]  }
0x13b: {  	[tilespmem:s13], [sflag:$0x1] =	stream.indirect.gather [hbm4b:s5+s3], $0x40, s0, s3, $0xb8;
	[tilespmem:$0x10C00] =	vst v63  }
0x13c: {  	s23 =	rddreg [dreg:$0xb]  }
0x13d: {  	[tilespmem:s14], [sflag:$0x1] =	stream.indirect.gather [hbm4b:s5+s3], $0x40, s23, s3, $0xb8;
	[tilespmem:$0x10C00] =	vst v63  }
0x13e: {  	_ =	swait.ge [sflag:s6], $0x2000  }
0x13f: {  	[sflag:s6] =	ssyncset.done $0x0  }
0x140: {  	[sflag:s6] =	ssyncadd.s32 $0xFFFFE000  }
0x141: {  	_ =	swait.ge [sflag:s6], $0x2000  }
0x142: {  	[sflag:s6] =	ssyncset.done $0x0  }
0x143: {  	[sflag:s6] =	ssyncadd.s32 $0xFFFFE000  }
0x144: {  	_ =	swait.ge [sflag:s6], $0x2000  }
0x145: {  	[sflag:s6] =	ssyncset.done $0x0  }
0x146: {  	[sflag:s6] =	ssyncadd.s32 $0xFFFFE000  }
0x147: {  	_ =	swait.ge [sflag:s6], $0x2000  }
0x148: {  	[sflag:s6] =	ssyncset.done $0x0  }
0x149: {  	[sflag:s6] =	ssyncadd.s32 $0xFFFFE000  }
0x14a: {  	_ =	swait.ge [sflag:s6], $0x2000  }
0x14b: {  	[sflag:s6] =	ssyncset.done $0x0  }
0x14c: {  	[sflag:s6] =	ssyncadd.s32 $0xFFFFE000  }
0x14d: {  	_ =	swait.ge [sflag:s6], $0x2000  }
0x14e: {  	[sflag:s6] =	ssyncset.done $0x0  }
0x14f: {  	[sflag:s6] =	ssyncadd.s32 $0xFFFFE000  }
0x150: {  	_ =	swait.ge [sflag:s6], $0x2000  }
0x151: {  	[sflag:s6] =	ssyncset.done $0x0  }
0x152: {  	[sflag:s6] =	ssyncadd.s32 $0xFFFFE000  }
0x153: {  	_ =	swait.ge [sflag:s6], $0x2000  }
0x154: {  	[sflag:s6] =	ssyncset.done $0x0  }
0x155: {  	s1 =	rddreg [dreg:$0x3];
	[sflag:s6] =	ssyncadd.s32 $0xFFFFE000  }
0x156: {  	[hbm4b:s1+s7] =	stream.strided.scatter [tilespmem:s4], [sflag:$0x2], $0x10000, s3, s7, $0x38;
	[tilespmem:$0x10C00] =	vst v63  }
0x157: {  	_ =	swait.ge [sflag:s2], $0x10000  }
0x158: {  	[sflag:s2] =	ssyncset.done $0x0  }
0x159: {  	s23 =	rddreg [dreg:$0xc];
	[sflag:s2] =	ssyncadd.s32 $0xFFFF0000  }
0x15a: {  	[tilespmem:s4], [sflag:$0x1] =	stream.indirect.gather [hbm4b:s5+s3], $0x40, s23, s3, $0xb8;
	[tilespmem:$0x10C00] =	vst v63  }
0x15b: {  	_ = 	snop  }
0x15c: {  	[tilespmem:s8], [sflag:$0x1] =	stream.indirect.gather [hbm4b:s5+s3], $0x40, s25, s3, $0xb8;
	[tilespmem:$0x10C00] =	vst v63  }
0x15d: {  	_ = 	snop  }
0x15e: {  	[tilespmem:s9], [sflag:$0x1] =	stream.indirect.gather [hbm4b:s5+s3], $0x40, s26, s3, $0xb8;
	[tilespmem:$0x10C00] =	vst v63  }
0x15f: {  	_ = 	snop  }
0x160: {  	[tilespmem:s10], [sflag:$0x1] =	stream.indirect.gather [hbm4b:s5+s3], $0x40, s28, s3, $0xb8;
	[tilespmem:$0x10C00] =	vst v63  }
0x161: {  	_ = 	snop  }
0x162: {  	[tilespmem:s11], [sflag:$0x1] =	stream.indirect.gather [hbm4b:s5+s3], $0x40, s29, s3, $0xb8;
	[tilespmem:$0x10C00] =	vst v63  }
0x163: {  	_ = 	snop  }
0x164: {  	[tilespmem:s12], [sflag:$0x1] =	stream.indirect.gather [hbm4b:s5+s3], $0x40, s30, s3, $0xb8;
	[tilespmem:$0x10C00] =	vst v63  }
0x165: {  	_ = 	snop  }
0x166: {  	[tilespmem:s13], [sflag:$0x1] =	stream.indirect.gather [hbm4b:s5+s3], $0x40, s31, s3, $0xb8;
	[tilespmem:$0x10C00] =	vst v63  }
0x167: {  	_ = 	snop  }
0x168: {  	[tilespmem:s14], [sflag:$0x1] =	stream.indirect.gather [hbm4b:s5+s3], $0x40, s24, s3, $0xb8;
	[tilespmem:$0x10C00] =	vst v63  }
0x169: {  	_ =	swait.ge [sflag:s6], $0x2000  }
0x16a: {  	[sflag:s6] =	ssyncset.done $0x0  }
0x16b: {  	[sflag:s6] =	ssyncadd.s32 $0xFFFFE000  }
0x16c: {  	_ =	swait.ge [sflag:s6], $0x2000  }
0x16d: {  	[sflag:s6] =	ssyncset.done $0x0  }
0x16e: {  	[sflag:s6] =	ssyncadd.s32 $0xFFFFE000  }
0x16f: {  	_ =	swait.ge [sflag:s6], $0x2000  }
0x170: {  	[sflag:s6] =	ssyncset.done $0x0  }
0x171: {  	[sflag:s6] =	ssyncadd.s32 $0xFFFFE000  }
0x172: {  	_ =	swait.ge [sflag:s6], $0x2000  }
0x173: {  	[sflag:s6] =	ssyncset.done $0x0  }
0x174: {  	[sflag:s6] =	ssyncadd.s32 $0xFFFFE000  }
0x175: {  	_ =	swait.ge [sflag:s6], $0x2000  }
0x176: {  	[sflag:s6] =	ssyncset.done $0x0  }
0x177: {  	[sflag:s6] =	ssyncadd.s32 $0xFFFFE000  }
0x178: {  	_ =	swait.ge [sflag:s6], $0x2000  }
0x179: {  	[sflag:s6] =	ssyncset.done $0x0  }
0x17a: {  	[sflag:s6] =	ssyncadd.s32 $0xFFFFE000  }
0x17b: {  	_ =	swait.ge [sflag:s6], $0x2000  }
0x17c: {  	[sflag:s6] =	ssyncset.done $0x0  }
0x17d: {  	[sflag:s6] =	ssyncadd.s32 $0xFFFFE000  }
0x17e: {  	_ =	swait.ge [sflag:s6], $0x2000  }
0x17f: {  	[sflag:s6] =	ssyncset.done $0x0  }
0x180: {  	s29 =	rddreg [dreg:$0x4];
	[sflag:s6] =	ssyncadd.s32 $0xFFFFE000  }
0x181: {  	[hbm4b:s29+s7] =	stream.strided.scatter [tilespmem:s4], [sflag:$0x2], $0x10000, s3, s7, $0x38;
	[tilespmem:$0x10C00] =	vst v63  }
0x182: {  	_ =	swait.ge [sflag:s2], $0x10000  }
0x183: {  	[sflag:s2] =	ssyncset.done $0x0  }
0x184: {  	[sflag:s2] =	ssyncadd.s32 $0xFFFF0000  }
0x185: {  	[tilespmem:s4], [sflag:$0x1] =	stream.indirect.gather [hbm4b:s5+s3], $0x40, s16, s3, $0xb8;
	[tilespmem:$0x10C00] =	vst v63  }
0x186: {  	_ = 	snop  }
0x187: {  	[tilespmem:s8], [sflag:$0x1] =	stream.indirect.gather [hbm4b:s5+s3], $0x40, s17, s3, $0xb8;
	[tilespmem:$0x10C00] =	vst v63  }
0x188: {  	_ = 	snop  }
0x189: {  	[tilespmem:s9], [sflag:$0x1] =	stream.indirect.gather [hbm4b:s5+s3], $0x40, s18, s3, $0xb8;
	[tilespmem:$0x10C00] =	vst v63  }
0x18a: {  	_ = 	snop  }
0x18b: {  	[tilespmem:s10], [sflag:$0x1] =	stream.indirect.gather [hbm4b:s5+s3], $0x40, s19, s3, $0xb8;
	[tilespmem:$0x10C00] =	vst v63  }
0x18c: {  	_ = 	snop  }
0x18d: {  	[tilespmem:s11], [sflag:$0x1] =	stream.indirect.gather [hbm4b:s5+s3], $0x40, s20, s3, $0xb8;
	[tilespmem:$0x10C00] =	vst v63  }
0x18e: {  	_ = 	snop  }
0x18f: {  	[tilespmem:s12], [sflag:$0x1] =	stream.indirect.gather [hbm4b:s5+s3], $0x40, s21, s3, $0xb8;
	[tilespmem:$0x10C00] =	vst v63  }
0x190: {  	_ = 	snop  }
0x191: {  	[tilespmem:s13], [sflag:$0x1] =	stream.indirect.gather [hbm4b:s5+s3], $0x40, s22, s3, $0xb8;
	[tilespmem:$0x10C00] =	vst v63  }
0x192: {  	s30 =	simm.s32 $0xB80  }
0x193: {  	[tilespmem:s14], [sflag:$0x1] =	stream.indirect.gather [hbm4b:s5+s3], $0x40, s30, s3, $0xb8;
	[tilespmem:$0x10C00] =	vst v63  }
0x194: {  	_ =	swait.ge [sflag:s6], $0x2000  }
0x195: {  	[sflag:s6] =	ssyncset.done $0x0  }
0x196: {  	[sflag:s6] =	ssyncadd.s32 $0xFFFFE000  }
0x197: {  	_ =	swait.ge [sflag:s6], $0x2000  }
0x198: {  	[sflag:s6] =	ssyncset.done $0x0  }
0x199: {  	[sflag:s6] =	ssyncadd.s32 $0xFFFFE000  }
0x19a: {  	_ =	swait.ge [sflag:s6], $0x2000  }
0x19b: {  	[sflag:s6] =	ssyncset.done $0x0  }
0x19c: {  	[sflag:s6] =	ssyncadd.s32 $0xFFFFE000  }
0x19d: {  	_ =	swait.ge [sflag:s6], $0x2000  }
0x19e: {  	[sflag:s6] =	ssyncset.done $0x0  }
0x19f: {  	[sflag:s6] =	ssyncadd.s32 $0xFFFFE000  }
0x1a0: {  	_ =	swait.ge [sflag:s6], $0x2000  }
0x1a1: {  	[sflag:s6] =	ssyncset.done $0x0  }
0x1a2: {  	[sflag:s6] =	ssyncadd.s32 $0xFFFFE000  }
0x1a3: {  	_ =	swait.ge [sflag:s6], $0x2000  }
0x1a4: {  	[sflag:s6] =	ssyncset.done $0x0  }
0x1a5: {  	[sflag:s6] =	ssyncadd.s32 $0xFFFFE000  }
0x1a6: {  	_ =	swait.ge [sflag:s6], $0x2000  }
0x1a7: {  	[sflag:s6] =	ssyncset.done $0x0  }
0x1a8: {  	[sflag:s6] =	ssyncadd.s32 $0xFFFFE000  }
0x1a9: {  	_ =	swait.ge [sflag:s6], $0x2000  }
0x1aa: {  	[sflag:s6] =	ssyncset.done $0x0  }
0x1ab: {  	s31 =	rddreg [dreg:$0x5];
	[sflag:s6] =	ssyncadd.s32 $0xFFFFE000  }
0x1ac: {  	[hbm4b:s31+s7] =	stream.strided.scatter [tilespmem:s4], [sflag:$0x2], $0x10000, s3, s7, $0x38;
	[tilespmem:$0x10C00] =	vst v63  }
0x1ad: {  	_ =	swait.ge [sflag:s2], $0x10000  }
0x1ae: {  	[sflag:s2] =	ssyncset.done $0x0  }
0x1af: {  	[sflag:s2] =	ssyncadd.s32 $0xFFFF0000  }
0x1b0: {  	_ =	sfence.sel $0x180000  }
0x1b1: {  	[bflag:$0x0] =	sbarrier.arrive $0xFFFF  }
0x1b2: {  	_ =	strace $0x9000004A  }
0x1b3: {  	[bflag:$0x2] =	sbarrier.arrive $0xFFFF  }
0x1b4: {  	p0 =	sne.s32 s15, $0x0;
	s0 =	rddreg [dreg:$0x1]  }
0x1b5: {  	s0 =	sadd.s32 @!p0 $0x100000, s0  }
0x1b6: {  	[sflag:s0] =	ssyncadd.tile.s32 @!p0 $0x1;
	_ =	shalt  }
.LBB2_1:
.Ltmp3:
0x1b7: {  	s24 =	simm.s32 $0x780;
	s31 =	simm.s32 $0x700;
	(pc) =	sbr.rel .LBB2_6-.Ltmp3, $4  }
0x1b8: {  	s30 =	simm.s32 $0x680;
	s29 =	simm.s32 $0x600;
	s28 =	simm.s32 $0x580  }
0x1b9: {  	s26 =	simm.s32 $0x500;
	s25 =	simm.s32 $0x480;
	s22 =	simm.s32 $0xB00  }
0x1ba: {  	s21 =	simm.s32 $0xA80;
	s20 =	simm.s32 $0xA00;
	s19 =	simm.s32 $0x980  }
0x1bb: {  	s18 =	simm.s32 $0x900;
	s17 =	simm.s32 $0x880;
	s16 =	simm.s32 $0x800  }
.LBB2_3:
0x1bc: {  	s24 =	simm.s32 $0x780  }
.Ltmp4:
0x1bd: {  	s31 =	simm.s32 $0x700;
	s30 =	simm.s32 $0x680;
	(pc) =	sbr.rel .LBB2_6-.Ltmp4, $4  }
0x1be: {  	s29 =	simm.s32 $0x600;
	s28 =	simm.s32 $0x580;
	s26 =	simm.s32 $0x500  }
0x1bf: {  	s25 =	simm.s32 $0x480;
	s22 =	simm.s32 $0xB00;
	s21 =	simm.s32 $0xA80  }
0x1c0: {  	s20 =	simm.s32 $0xA00;
	s19 =	simm.s32 $0x980;
	s18 =	simm.s32 $0x900  }
0x1c1: {  	s17 =	simm.s32 $0x880;
	s16 =	simm.s32 $0x800;
	s15 =	stileid.u32  }
.Lfunc_end2:
_tile_overlayer_lowered:
.L_overlay_start_2:
0x1c2: {  	(tag) =	ssettag $0x2  }
0x1c3: {  	s0 =	rddreg [dreg:$0x0];
	s2 =	stileid.u32  }
0x1c4: {  	s1 =	rddreg [dreg:$0x1];
	p0 =	sne.s32 s2, $0x0  }
0x1c5: {  	s3 =	rddreg [dreg:$0x2];
	[bflag:$0x3] =	sbarrier.arrive $0xFFFF;
	s2 =	simm.s32 @!p0 $0x1C02  }
0x1c6: {  	[timem:s3], [sflag:s2] =	dma.local @!p0 [hbm:s0], s1  }
0x1c7: {  	s0 =	simm.s32 @!p0 $0x2  }
0x1c8: {  	_ =	swait.ge @!p0 [sflag:s0], s1  }
0x1c9: {  	s1 =	ssub.s32 @!p0 $0x0, s1;
	[sflag:s0] =	ssyncset.done @!p0 $0x0  }
0x1ca: {  	[sflag:s0] =	ssyncadd.s32 @!p0 s1  }
0x1cb: {  	[bflag:$0x3] =	sbarrier.arrive $0xFFFF  }
0x1cc: {  	_ =	shalt  }

// kernel: kernel.7.cloned.1.call-start
scs
__scs_entry_jumppad:
0x0: {  	(pc) =	sbr.rel $0x88, $3  }
0x1: {  	(tag) =	ssettag $0x0;
	lr =	simm.s32 $0x1  }
0x2: {  	[smem:$0x3F9B] =	sst lr;
	_ =	strace $0xD0000000  }
0x3: {  	_ = 	snop  }
0x4: {  	_ = 	snop  }
0x5: {  	_ = 	snop  }
0x6: {  	_ = 	snop  }
0x7: {  	_ = 	snop  }
__scs_overlays_trampoline_lowered:
0x8: {  	[smem:$0x3FAA] =	sst s0  }
0x9: {  	[smem:$0x3FAB] =	sst s1  }
0xa: {  	[smem:$0x3FAC] =	sst s2  }
0xb: {  	[smem:$0x3FAD] =	sst s3  }
0xc: {  	[smem:$0x3FAE] =	sst s4  }
0xd: {  	[smem:$0x3FAF] =	sst s5  }
0xe: {  	[smem:$0x3FB0] =	sst s6  }
0xf: {  	[smem:$0x3FB1] =	sst s7  }
0x10: {  	[smem:$0x3FB2] =	sst s8  }
0x11: {  	[smem:$0x3FB3] =	sst s9;
	s0 =	simm.s32 @!p0 $0x0  }
0x12: {  	s1 =	sld [smem:$0x3F99];
	s0 =	simm.s32 @p0 $0x1  }
0x13: {  	[smem:$0x3FB4] =	sst s0;
	s0 =	simm.s32 @!p1 $0x0  }
0x14: {  	s2 =	sld [smem:$0x3F98];
	s0 =	simm.s32 @p1 $0x1  }
0x15: {  	[smem:$0x3FB5] =	sst s0;
	s0 =	simm.s32 @!p2 $0x0  }
0x16: {  	s3 =	sld [smem:$0x3FDB];
	s0 =	simm.s32 @p2 $0x1  }
0x17: {  	s4 =	simm.s32 $0x1BF5;
	[smem:$0x3FB7] =	sst s0  }
0x18: {  	s0 =	sld [smem:$0x3F9A];
	_ =	swait.ge [sflag:s4], $0x0  }
0x19: {  	s7 =	sld [smem:$0x3F9B]  }
0x1a: {  	s8 =	sadd.s32 $0xFFFFE003, lr  }
0x1b: {  	s9 =	sadd.s32 $0xFFFFFEF7, lr;
	s5 =	simm.s32 $0xFFFFFFFF;
	p2 =	slt.u32 s8, $0xFFFFF086  }
0x1c: {  	p1 =	slt.u32 s9, $0xF7A;
	s5 =	simm.s32 @!p2 $0x0  }
0x1d: {  	s5 =	simm.s32 @p1 $0x1;
	p0 =	seq.s32 s7, s2  }
0x1e: {  	s7 =	smul.u32 @!p0 $0xF7A, s2;
	p2 =	seq.s32 @!p0 s5, $0x0  }
0x1f: {  	s9 =	smul.u32 $0xF7A, s1;
	s8 =	simm.s32 @!p0 $0x1BF5;
	p2 =	por !p2, p0  }
0x20: {  	[sflag:s8] =	ssyncset.s32 @!p0 $0xFFFFF086;
	s6 =	sadd.s32 @!p0 s3, s7;
	s7 =	simm.s32 @!p0 $0x108  }
0x21: {  	s3 =	sadd.s32 s3, s9;
	s6 =	sadd.s32 @!p0 $0x88, s6;
	s7 =	simm.s32 @p2 $0x1082  }
0x22: {  	[simem:s7], [sflag:s8] =	dma.local @!p0 [hbm:s6], $0xF7A  }
0x23: {  	s9 =	sor.u32 $0xD0000000, s2;
	s6 =	simm.s32 $0x108;
	_ =	swait.ge @!p0 [sflag:s8], $0x0  }
0x24: {  	s3 =	sadd.s32 $0x88, s3;
	s6 =	simm.s32 @!p1 $0x1082;
	[sflag:s4] =	ssyncset.s32 $0xFFFFF086  }
0x25: {  	[simem:s6], [sflag:s4] =	dma.local [hbm:s3], $0xF7A  }
0x26: {  	[smem:$0x3F9B] =	sst s1;
	(tag) =	ssettag s2;
	_ =	strace s9  }
0x27: {  	s1 =	sld [smem:$0x3FAB]  }
0x28: {  	s2 =	sld [smem:$0x3FAC]  }
0x29: {  	s4 =	sld [smem:$0x3FAE]  }
0x2a: {  	p0 =	seq.s32 s5, $0x0;
	s5 =	sld [smem:$0x3FAF]  }
0x2b: {  	s6 =	sld [smem:$0x3FB0]  }
0x2c: {  	s7 =	sld [smem:$0x3FB1]  }
0x2d: {  	s3 =	simm.s32 $0x108;
	s8 =	sld [smem:$0x3FB2]  }
0x2e: {  	s3 =	simm.s32 @!p0 $0x1082;
	s9 =	sld [smem:$0x3FB3]  }
0x2f: {  	lr =	sadd.s32 s0, s3;
	s0 =	sld [smem:$0x3FAA]  }
0x30: {  	s3 =	sld [smem:$0x3FAD]  }
0x31: {  	[smem:$0x3FB6] =	sst s10  }
0x32: {  	s10 =	sld [smem:$0x3FB4];
	_ =	sdelay $0x3  }
0x33: {  	p0 =	seq.s32 s10, $0x1;
	s10 =	sld [smem:$0x3FB6];
	_ =	sdelay $0x3  }
0x34: {  	[smem:$0x3FB6] =	sst s10  }
0x35: {  	s10 =	sld [smem:$0x3FB5];
	_ =	sdelay $0x3  }
0x36: {  	p1 =	seq.s32 s10, $0x1;
	s10 =	sld [smem:$0x3FB6];
	_ =	sdelay $0x3  }
0x37: {  	[smem:$0x3FB6] =	sst s10  }
0x38: {  	s10 =	sld [smem:$0x3FB7]  }
0x39: {  	_ = 	snop;
	(pc) =	sbr.ind lr, $3  }
0x3a: {  	_ = 	snop  }
0x3b: {  	_ = 	snop  }
0x3c: {  	p2 =	seq.s32 s10, $0x1;
	s10 =	sld [smem:$0x3FB6]  }
0x3d: {  	_ =	shalt  }
0x3e: {  	_ =	shalt  }
0x3f: {  	_ =	shalt  }
0x40: {  	_ =	shalt  }
0x41: {  	_ =	shalt  }
0x42: {  	_ =	shalt  }
0x43: {  	_ =	shalt  }
0x44: {  	_ =	shalt  }
0x45: {  	_ =	shalt  }
0x46: {  	_ =	shalt  }
0x47: {  	_ =	shalt  }
0x48: {  	_ =	shalt  }
0x49: {  	_ =	shalt  }
0x4a: {  	_ =	shalt  }
0x4b: {  	_ =	shalt  }
0x4c: {  	_ =	shalt  }
0x4d: {  	_ =	shalt  }
0x4e: {  	_ =	shalt  }
0x4f: {  	_ =	shalt  }
0x50: {  	_ =	shalt  }
0x51: {  	_ =	shalt  }
0x52: {  	_ =	shalt  }
0x53: {  	_ =	shalt  }
0x54: {  	_ =	shalt  }
0x55: {  	_ =	shalt  }
0x56: {  	_ =	shalt  }
0x57: {  	_ =	shalt  }
0x58: {  	_ =	shalt  }
0x59: {  	_ =	shalt  }
0x5a: {  	_ =	shalt  }
0x5b: {  	_ =	shalt  }
0x5c: {  	_ =	shalt  }
0x5d: {  	_ =	shalt  }
0x5e: {  	_ =	shalt  }
0x5f: {  	_ =	shalt  }
0x60: {  	_ =	shalt  }
0x61: {  	_ =	shalt  }
0x62: {  	_ =	shalt  }
0x63: {  	_ =	shalt  }
0x64: {  	_ =	shalt  }
0x65: {  	_ =	shalt  }
0x66: {  	_ =	shalt  }
0x67: {  	_ =	shalt  }
0x68: {  	_ =	shalt  }
0x69: {  	_ =	shalt  }
0x6a: {  	_ =	shalt  }
0x6b: {  	_ =	shalt  }
0x6c: {  	_ =	shalt  }
0x6d: {  	_ =	shalt  }
0x6e: {  	_ =	shalt  }
0x6f: {  	_ =	shalt  }
0x70: {  	_ =	shalt  }
0x71: {  	_ =	shalt  }
0x72: {  	_ =	shalt  }
0x73: {  	_ =	shalt  }
0x74: {  	_ =	shalt  }
0x75: {  	_ =	shalt  }
0x76: {  	_ =	shalt  }
0x77: {  	_ =	shalt  }
0x78: {  	_ =	shalt  }
0x79: {  	_ =	shalt  }
0x7a: {  	_ =	shalt  }
0x7b: {  	_ =	shalt  }
0x7c: {  	_ =	shalt  }
0x7d: {  	_ =	shalt  }
0x7e: {  	_ =	shalt  }
0x7f: {  	_ =	shalt  }
0x80: {  	_ =	shalt  }
0x81: {  	_ =	shalt  }
0x82: {  	_ =	shalt  }
0x83: {  	_ =	shalt  }
0x84: {  	_ =	shalt  }
0x85: {  	_ =	shalt  }
0x86: {  	_ =	shalt  }
0x87: {  	_ =	shalt  }
.Lfunc_end0:
.L_simem_size_0:
called_computation_lowered:
.L_overlay_start_0:
0x88: {  	s2 =	sld [smem:$0x3FD9]  }
0x89: {  	s3 =	sld [smem:$0x3FFE];
	_ =	sdelay $0x1  }
0x8a: {  	s1 =	srdreg.scid  }
0x8b: {  	s0 =	sand.u32 $0x1, s1  }
0x8c: {  	s17 =	sshll.u32 s0, $0xA;
	s2 =	sadd.s32 s3, s2  }
0x8d: {  	s2 =	sadd.s32 s2, s17  }
0x8e: {  	[smem:$0x3FC2] =	sst s2  }
0x8f: {  	_ = 	snop  }
0x90: {  	s2 =	sld [smem:$0x3FD0];
	(tm) =	ssettm $0x1  }
0x91: {  	s18 =	sld [smem:$0x3FFB];
	_ =	sdelay $0x3  }
0x92: {  	_ =	strace s18  }
0x93: {  	s3 =	sld [smem:$0x3FFC];
	_ =	sdelay $0x3  }
0x94: {  	_ =	strace s3  }
0x95: {  	s3 =	sld [smem:$0x3FFD];
	_ =	sdelay $0x3  }
0x96: {  	_ =	strace s3  }
0x97: {  	_ =	strace $0x8FFFFFFF  }
0x98: {  	s19 =	sld [smem:$0x3FDB];
	_ =	sdelay $0x1  }
0x99: {  	s4 =	simm.s32 $_scs_section_size  }
0x9a: {  	s5 =	simm.s32 $_size__tile_overlayer_lowered;
	s6 =	simm.s32 $_tile_overlayer_lowered  }
0x9b: {  	s22 =	simm.s32 $0x1BFF;
	s21 =	sshll.u32 s6, $0x1;
	s3 =	sadd.s32 s4, s19  }
0x9c: {  	s7 =	simm.s32 $0x0;
	s20 =	sshll.u32 s5, $0x1;
	s5 =	sadd.s32 s21, s3  }
0x9d: {  	[timem:s7], [sflag:s22] =	dma.local [hbm:s5], s20  }
0x9e: {  	_ =	swait.ge [sflag:s22], s20  }
0x9f: {  	s4 =	ssub.s32 $0x0, s20;
	[sflag:s22] =	ssyncset.done $0x0  }
0xa0: {  	[sflag:s22] =	ssyncadd.s32 s4;
	_ =	sdelay $0x1  }
0xa1: {  	s23 =	simm.s32 $0x1B8B  }
0xa2: {  	_ =	swait.ge [sflag:s23], $0x1  }
0xa3: {  	[sflag:s23] =	ssyncset.done $0x0  }
0xa4: {  	s25 =	simm.s32 $0x1B8E;
	s24 =	sld [smem:$0x3FFE];
	[sflag:s23] =	ssyncadd.s32 $0xFFFFFFFF  }
0xa5: {  	s26 =	simm.s32 $execute0_lowered;
	[smem:$0x3FD2] =	sst s25  }
0xa6: {  	s5 =	sshll.u32 s26, $0x1;
	_ =	strace $0x80000046;
	[dreg:$0x1] =	wrdreg $0xFFFFFFFF  }
0xa7: {  	s28 =	simm.s32 $_size_execute0_lowered;
	s3 =	sadd.s32 s3, s5;
	[dreg:$0x0] =	wrdreg $0x0  }
0xa8: {  	s5 =	sshll.u32 s28, $0x1;
	[dreg:$0x2] =	wrdreg s3  }
0xa9: {  	[dreg:$0x3] =	wrdreg s5  }
0xaa: {  	[dreg:$0x4] =	wrdreg $0xC0  }
0xab: {  	_ =	task [dreg:s7], $0x5FFFF  }
0xac: {  	[dreg:$0x1] =	wrdreg $0xFFFFFFFF  }
0xad: {  	[dreg:$0x0] =	wrdreg $0x60  }
0xae: {  	[dreg:$0x2] =	wrdreg s24  }
0xaf: {  	[dreg:$0x3] =	wrdreg s2  }
0xb0: {  	[dreg:$0x4] =	wrdreg $0x9  }
0xb1: {  	_ =	task.clear_ibuf [dreg:s7], $0x5FFFF;
	_ =	strace $0x90000046  }
0xb2: {  	s29 =	simm.s32 $0x9;
	_ =	strace $0x80000048  }
0xb3: {  	_ =	swait.ge [sflag:s29], $0x1  }
0xb4: {  	[sflag:s29] =	ssyncadd.s32 $0xFFFFFFFF  }
0xb5: {  	_ =	strace $0x90000048  }
0xb6: {  	_ =	sfence  }
0xb7: {  	s30 =	sld [smem:$0x0];
	_ =	sdelay $0x2  }
0xb8: {  	s31 =	sshll.u32 s1, $0xD;
	s1 =	sshrl.u32 s1, $0x2  }
0xb9: {  	s3 =	sand.u32 $0x4000, s31;
	s1 =	sadd.s32 s1, s30  }
0xba: {  	s0 =	sor.u32 s3, s0;
	s1 =	sshll.u32 s1, $0x11  }
0xbb: {  	s0 =	sor.u32 s1, s0  }
0xbc: {  	s0 =	sadd.s32 $0x8F2B, s0  }
0xbd: {  	[sflag:s0] =	ssyncadd.remote.s32 $0x1  }
0xbe: {  	_ =	sfence.sel $0xFFFF  }
0xbf: {  	[dreg:$0x0] =	wrdreg $0xFFFFFFFF;
	(pc) =	sbr.abs _section_cstart, $3  }
0xc0: {  	[dreg:$0x1] =	wrdreg $0xFFFFFFFF  }
0xc1: {  	_ =	task.clear_ibuf [dreg:s7], $0x2FFFF;
	_ =	strace $0x9FFFFFFF  }
0xc2: {  	(tm) =	ssettm $0x7FFFFFFF  }
0xc3: {  	_ =	shalt  }
tec
execute0_lowered:
.L_overlay_start_1:
0x0: {  	(tag) =	ssettag $0x1  }
0x1: {  	s0 =	srdreg.scid;
	s2 =	rddreg [dreg:$0x0]  }
0x2: {  	s15 =	stileid.u32;
	s6 =	rddreg [dreg:$0x1]  }
0x3: {  	s23 =	simm.s32 $0x0;
	s19 =	simm.s32 $0x100;
	s20 =	simm.s32 $0x180  }
0x4: {  	s8 =	simm.s32 $0x2C00;
	s21 =	simm.s32 $0x200;
	s9 =	simm.s32 $0x4C00  }
0x5: {  	s22 =	simm.s32 $0x280;
	s10 =	simm.s32 $0x6C00;
	s24 =	simm.s32 $0x300  }
0x6: {  	s11 =	simm.s32 $0x8C00;
	s25 =	simm.s32 $0x380;
	s12 =	simm.s32 $0xAC00  }
0x7: {  	s13 =	simm.s32 $0xCC00;
	s26 =	simm.s32 $0x400;
	s7 =	simm.s32 $0x40  }
0x8: {  	s28 =	simm.s32 $0x580;
	s29 =	simm.s32 $0x600;
	[smem:$0x7FF] =	sst s23  }
0x9: {  	s30 =	simm.s32 $0x680;
	_ =	strace $0x80000047;
	[dreg:$0x7] =	wrdreg s19  }
0xa: {  	s31 =	simm.s32 $0x700;
	p0 =	por $0x0, $0x0;
	[dreg:$0x8] =	wrdreg s20  }
0xb: {  	s0 =	sand.u32 $0x1, s0;
	s1 =	sshll.u32 s15, $0x1;
	[dreg:$0x9] =	wrdreg s21  }
0xc: {  	s3 =	sshrl.u32 s15, $0x3;
	s5 =	sshll.u32 s15, $0x4;
	[dreg:$0xa] =	wrdreg s22  }
0xd: {  	s1 =	sor.u32 s0, s1;
	s3 =	smul.u32 $0x300000, s3;
	[dreg:$0xb] =	wrdreg s24  }
0xe: {  	s5 =	sand.u32 $0x40, s5;
	s0 =	ssub.s32 $0x2, s0;
	[dreg:$0xc] =	wrdreg s25  }
0xf: {  	[dreg:$0xd] =	wrdreg s26;
	s25 =	simm.s32 $0x480;
	s26 =	simm.s32 $0x500  }
0x10: {  	s19 =	simm.s32 $0x980;
	s20 =	simm.s32 $0xA00;
	s21 =	simm.s32 $0xA80  }
0x11: {  	s22 =	simm.s32 $0xB00;
	s4 =	sand.u32 $0x7, s1;
	s1 =	smul.u32 $0x180, s1  }
0x12: {  	s24 =	simm.s32 $0xB80;
	s16 =	sshrl.u32 s0, $0x1;
	s4 =	smul.u32 $0x60000, s4  }
0x13: {  	s3 =	sor.u32 s3, s5;
	s0 =	ssub.s32 s0, s16;
	s5 =	sadd.s32 $0xC00, s2  }
0x14: {  	s16 =	simm.s32 $0x780;
	s1 =	sadd.s32 s6, s1;
	s3 =	sadd.s32 s4, s3  }
0x15: {  	s0 =	smax.u32 s0, $0x1;
	[dreg:$0x3] =	wrdreg s1;
	s3 =	sshrl.u32 s3, $0x3  }
0x16: {  	p1 =	sne.s32 s0, $0x1;
	s1 =	sadd.s32 $0xFFFFFFFF, s0;
	s3 =	sadd.s32 s3, s2  }
.Ltmp0:
0x17: {  	s0 =	rddreg [dreg:$0x3];
	s14 =	sadd.s32 $0x303C00, s3;
	(pc) =	sbr.rel @!p1 .LBB2_1-.Ltmp0, $4  }
0x18: {  	s6 =	simm.s32 $0x1;
	s17 =	sadd.s32 $0x307C00, s3;
	[dreg:$0x4] =	wrdreg s14  }
0x19: {  	s4 =	simm.s32 $0xC00;
	s18 =	sadd.s32 $0x30BC00, s3;
	[dreg:$0x5] =	wrdreg s17  }
0x1a: {  	s2 =	simm.s32 $0x2;
	s3 =	simm.s32 $0x80;
	[dreg:$0x6] =	wrdreg s18  }
0x1b: {  	s14 =	simm.s32 $0xEC00;
	s17 =	simm.s32 $0x880;
	s18 =	simm.s32 $0x900  }
0x1c: {  	[tilespmem:s23], [sflag:$0x2] =	stream.linear.gather [hbm4b:s0+s23], $0xC00, $0x38;
	[tilespmem:$0x10C00] =	vst v63  }
0x1d: {  	_ =	swait.ge [sflag:s2], $0xC00  }
0x1e: {  	[sflag:s2] =	ssyncset.done $0x0  }
0x1f: {  	[sflag:s2] =	ssyncadd.s32 $0xFFFFF400  }
0x20: {  	[tilespmem:s4], [sflag:$0x1] =	stream.indirect.gather [hbm4b:s5+s3], $0x40, s23, s3, $0xb8;
	[tilespmem:$0x10C00] =	vst v63  }
0x21: {  	_ = 	snop  }
0x22: {  	[tilespmem:s8], [sflag:$0x1] =	stream.indirect.gather [hbm4b:s5+s3], $0x40, s3, s3, $0xb8;
	[tilespmem:$0x10C00] =	vst v63  }
0x23: {  	s0 =	rddreg [dreg:$0x7]  }
0x24: {  	[tilespmem:s9], [sflag:$0x1] =	stream.indirect.gather [hbm4b:s5+s3], $0x40, s0, s3, $0xb8;
	[tilespmem:$0x10C00] =	vst v63  }
0x25: {  	s15 =	smov.u32 s1;
	s1 =	rddreg [dreg:$0x8]  }
0x26: {  	[tilespmem:s10], [sflag:$0x1] =	stream.indirect.gather [hbm4b:s5+s3], $0x40, s1, s3, $0xb8;
	[tilespmem:$0x10C00] =	vst v63  }
0x27: {  	s0 =	rddreg [dreg:$0x9]  }
0x28: {  	[tilespmem:s11], [sflag:$0x1] =	stream.indirect.gather [hbm4b:s5+s3], $0x40, s0, s3, $0xb8;
	[tilespmem:$0x10C00] =	vst v63  }
0x29: {  	s1 =	rddreg [dreg:$0xa]  }
0x2a: {  	[tilespmem:s12], [sflag:$0x1] =	stream.indirect.gather [hbm4b:s5+s3], $0x40, s1, s3, $0xb8;
	[tilespmem:$0x10C00] =	vst v63  }
0x2b: {  	s0 =	rddreg [dreg:$0xb]  }
0x2c: {  	[tilespmem:s13], [sflag:$0x1] =	stream.indirect.gather [hbm4b:s5+s3], $0x40, s0, s3, $0xb8;
	[tilespmem:$0x10C00] =	vst v63  }
0x2d: {  	s1 =	rddreg [dreg:$0xc]  }
0x2e: {  	[tilespmem:s14], [sflag:$0x1] =	stream.indirect.gather [hbm4b:s5+s3], $0x40, s1, s3, $0xb8;
	[tilespmem:$0x10C00] =	vst v63  }
0x2f: {  	_ =	swait.ge [sflag:s6], $0x2000  }
0x30: {  	[sflag:s6] =	ssyncset.done $0x0  }
0x31: {  	[sflag:s6] =	ssyncadd.s32 $0xFFFFE000  }
0x32: {  	_ =	swait.ge [sflag:s6], $0x2000  }
0x33: {  	[sflag:s6] =	ssyncset.done $0x0  }
0x34: {  	[sflag:s6] =	ssyncadd.s32 $0xFFFFE000  }
0x35: {  	_ =	swait.ge [sflag:s6], $0x2000  }
0x36: {  	[sflag:s6] =	ssyncset.done $0x0  }
0x37: {  	[sflag:s6] =	ssyncadd.s32 $0xFFFFE000  }
0x38: {  	_ =	swait.ge [sflag:s6], $0x2000  }
0x39: {  	[sflag:s6] =	ssyncset.done $0x0  }
0x3a: {  	[sflag:s6] =	ssyncadd.s32 $0xFFFFE000  }
0x3b: {  	_ =	swait.ge [sflag:s6], $0x2000  }
0x3c: {  	[sflag:s6] =	ssyncset.done $0x0  }
0x3d: {  	[sflag:s6] =	ssyncadd.s32 $0xFFFFE000  }
0x3e: {  	_ =	swait.ge [sflag:s6], $0x2000  }
0x3f: {  	[sflag:s6] =	ssyncset.done $0x0  }
0x40: {  	[sflag:s6] =	ssyncadd.s32 $0xFFFFE000  }
0x41: {  	_ =	swait.ge [sflag:s6], $0x2000  }
0x42: {  	[sflag:s6] =	ssyncset.done $0x0  }
0x43: {  	[sflag:s6] =	ssyncadd.s32 $0xFFFFE000  }
0x44: {  	_ =	swait.ge [sflag:s6], $0x2000  }
0x45: {  	[sflag:s6] =	ssyncset.done $0x0  }
0x46: {  	s1 =	rddreg [dreg:$0x4];
	[sflag:s6] =	ssyncadd.s32 $0xFFFFE000  }
0x47: {  	[hbm4b:s1+s7] =	stream.strided.scatter [tilespmem:s4], [sflag:$0x2], $0x10000, s3, s7, $0x38;
	[tilespmem:$0x10C00] =	vst v63  }
0x48: {  	_ =	swait.ge [sflag:s2], $0x10000  }
0x49: {  	[sflag:s2] =	ssyncset.done $0x0  }
0x4a: {  	s1 =	rddreg [dreg:$0xd];
	[sflag:s2] =	ssyncadd.s32 $0xFFFF0000  }
0x4b: {  	[tilespmem:s4], [sflag:$0x1] =	stream.indirect.gather [hbm4b:s5+s3], $0x40, s1, s3, $0xb8;
	[tilespmem:$0x10C00] =	vst v63  }
0x4c: {  	_ = 	snop  }
0x4d: {  	[tilespmem:s8], [sflag:$0x1] =	stream.indirect.gather [hbm4b:s5+s3], $0x40, s25, s3, $0xb8;
	[tilespmem:$0x10C00] =	vst v63  }
0x4e: {  	_ = 	snop  }
0x4f: {  	[tilespmem:s9], [sflag:$0x1] =	stream.indirect.gather [hbm4b:s5+s3], $0x40, s26, s3, $0xb8;
	[tilespmem:$0x10C00] =	vst v63  }
0x50: {  	_ = 	snop  }
0x51: {  	[tilespmem:s10], [sflag:$0x1] =	stream.indirect.gather [hbm4b:s5+s3], $0x40, s28, s3, $0xb8;
	[tilespmem:$0x10C00] =	vst v63  }
0x52: {  	_ = 	snop  }
0x53: {  	[tilespmem:s11], [sflag:$0x1] =	stream.indirect.gather [hbm4b:s5+s3], $0x40, s29, s3, $0xb8;
	[tilespmem:$0x10C00] =	vst v63  }
0x54: {  	_ = 	snop  }
0x55: {  	[tilespmem:s12], [sflag:$0x1] =	stream.indirect.gather [hbm4b:s5+s3], $0x40, s30, s3, $0xb8;
	[tilespmem:$0x10C00] =	vst v63  }
0x56: {  	_ = 	snop  }
0x57: {  	[tilespmem:s13], [sflag:$0x1] =	stream.indirect.gather [hbm4b:s5+s3], $0x40, s31, s3, $0xb8;
	[tilespmem:$0x10C00] =	vst v63  }
0x58: {  	_ = 	snop  }
0x59: {  	[tilespmem:s14], [sflag:$0x1] =	stream.indirect.gather [hbm4b:s5+s3], $0x40, s16, s3, $0xb8;
	[tilespmem:$0x10C00] =	vst v63  }
0x5a: {  	_ =	swait.ge [sflag:s6], $0x2000  }
0x5b: {  	[sflag:s6] =	ssyncset.done $0x0  }
0x5c: {  	[sflag:s6] =	ssyncadd.s32 $0xFFFFE000  }
0x5d: {  	_ =	swait.ge [sflag:s6], $0x2000  }
0x5e: {  	[sflag:s6] =	ssyncset.done $0x0  }
0x5f: {  	[sflag:s6] =	ssyncadd.s32 $0xFFFFE000  }
0x60: {  	_ =	swait.ge [sflag:s6], $0x2000  }
0x61: {  	[sflag:s6] =	ssyncset.done $0x0  }
0x62: {  	[sflag:s6] =	ssyncadd.s32 $0xFFFFE000  }
0x63: {  	_ =	swait.ge [sflag:s6], $0x2000  }
0x64: {  	[sflag:s6] =	ssyncset.done $0x0  }
0x65: {  	[sflag:s6] =	ssyncadd.s32 $0xFFFFE000  }
0x66: {  	_ =	swait.ge [sflag:s6], $0x2000  }
0x67: {  	[sflag:s6] =	ssyncset.done $0x0  }
0x68: {  	[sflag:s6] =	ssyncadd.s32 $0xFFFFE000  }
0x69: {  	_ =	swait.ge [sflag:s6], $0x2000  }
0x6a: {  	[sflag:s6] =	ssyncset.done $0x0  }
0x6b: {  	[sflag:s6] =	ssyncadd.s32 $0xFFFFE000  }
0x6c: {  	_ =	swait.ge [sflag:s6], $0x2000  }
0x6d: {  	[sflag:s6] =	ssyncset.done $0x0  }
0x6e: {  	[sflag:s6] =	ssyncadd.s32 $0xFFFFE000  }
0x6f: {  	_ =	swait.ge [sflag:s6], $0x2000  }
0x70: {  	[sflag:s6] =	ssyncset.done $0x0  }
0x71: {  	s1 =	rddreg [dreg:$0x5];
	[sflag:s6] =	ssyncadd.s32 $0xFFFFE000  }
0x72: {  	[hbm4b:s1+s7] =	stream.strided.scatter [tilespmem:s4], [sflag:$0x2], $0x10000, s3, s7, $0x38;
	[tilespmem:$0x10C00] =	vst v63  }
0x73: {  	_ =	swait.ge [sflag:s2], $0x10000  }
0x74: {  	[sflag:s2] =	ssyncset.done $0x0  }
0x75: {  	s1 =	simm.s32 $0x800;
	[sflag:s2] =	ssyncadd.s32 $0xFFFF0000  }
0x76: {  	[tilespmem:s4], [sflag:$0x1] =	stream.indirect.gather [hbm4b:s5+s3], $0x40, s1, s3, $0xb8;
	[tilespmem:$0x10C00] =	vst v63  }
0x77: {  	_ = 	snop  }
0x78: {  	[tilespmem:s8], [sflag:$0x1] =	stream.indirect.gather [hbm4b:s5+s3], $0x40, s17, s3, $0xb8;
	[tilespmem:$0x10C00] =	vst v63  }
0x79: {  	_ = 	snop  }
0x7a: {  	[tilespmem:s9], [sflag:$0x1] =	stream.indirect.gather [hbm4b:s5+s3], $0x40, s18, s3, $0xb8;
	[tilespmem:$0x10C00] =	vst v63  }
0x7b: {  	_ = 	snop  }
0x7c: {  	[tilespmem:s10], [sflag:$0x1] =	stream.indirect.gather [hbm4b:s5+s3], $0x40, s19, s3, $0xb8;
	[tilespmem:$0x10C00] =	vst v63  }
0x7d: {  	_ = 	snop  }
0x7e: {  	[tilespmem:s11], [sflag:$0x1] =	stream.indirect.gather [hbm4b:s5+s3], $0x40, s20, s3, $0xb8;
	[tilespmem:$0x10C00] =	vst v63  }
0x7f: {  	_ = 	snop  }
0x80: {  	[tilespmem:s12], [sflag:$0x1] =	stream.indirect.gather [hbm4b:s5+s3], $0x40, s21, s3, $0xb8;
	[tilespmem:$0x10C00] =	vst v63  }
0x81: {  	_ = 	snop  }
0x82: {  	[tilespmem:s13], [sflag:$0x1] =	stream.indirect.gather [hbm4b:s5+s3], $0x40, s22, s3, $0xb8;
	[tilespmem:$0x10C00] =	vst v63  }
0x83: {  	_ = 	snop  }
0x84: {  	[tilespmem:s14], [sflag:$0x1] =	stream.indirect.gather [hbm4b:s5+s3], $0x40, s24, s3, $0xb8;
	[tilespmem:$0x10C00] =	vst v63  }
0x85: {  	_ =	swait.ge [sflag:s6], $0x2000  }
0x86: {  	[sflag:s6] =	ssyncset.done $0x0  }
0x87: {  	[sflag:s6] =	ssyncadd.s32 $0xFFFFE000  }
0x88: {  	_ =	swait.ge [sflag:s6], $0x2000  }
0x89: {  	[sflag:s6] =	ssyncset.done $0x0  }
0x8a: {  	[sflag:s6] =	ssyncadd.s32 $0xFFFFE000  }
0x8b: {  	_ =	swait.ge [sflag:s6], $0x2000  }
0x8c: {  	[sflag:s6] =	ssyncset.done $0x0  }
0x8d: {  	[sflag:s6] =	ssyncadd.s32 $0xFFFFE000  }
0x8e: {  	_ =	swait.ge [sflag:s6], $0x2000  }
0x8f: {  	[sflag:s6] =	ssyncset.done $0x0  }
0x90: {  	[sflag:s6] =	ssyncadd.s32 $0xFFFFE000  }
0x91: {  	_ =	swait.ge [sflag:s6], $0x2000  }
0x92: {  	[sflag:s6] =	ssyncset.done $0x0  }
0x93: {  	[sflag:s6] =	ssyncadd.s32 $0xFFFFE000  }
0x94: {  	_ =	swait.ge [sflag:s6], $0x2000  }
0x95: {  	[sflag:s6] =	ssyncset.done $0x0  }
0x96: {  	[sflag:s6] =	ssyncadd.s32 $0xFFFFE000  }
0x97: {  	_ =	swait.ge [sflag:s6], $0x2000  }
0x98: {  	[sflag:s6] =	ssyncset.done $0x0  }
0x99: {  	[sflag:s6] =	ssyncadd.s32 $0xFFFFE000  }
0x9a: {  	p1 =	sne.s32 s15, $0x1;
	_ =	swait.ge [sflag:s6], $0x2000  }
.Ltmp1:
0x9b: {  	[sflag:s6] =	ssyncset.done $0x0;
	(pc) =	sbr.rel @!p1 .LBB2_3-.Ltmp1, $4  }
0x9c: {  	s1 =	rddreg [dreg:$0x6];
	[sflag:s6] =	ssyncadd.s32 $0xFFFFE000  }
0x9d: {  	[hbm4b:s1+s7] =	stream.strided.scatter [tilespmem:s4], [sflag:$0x2], $0x10000, s3, s7, $0x38;
	[tilespmem:$0x10C00] =	vst v63  }
0x9e: {  	p0 =	por $0x1, $0x1;
	_ =	swait.ge [sflag:s2], $0x10000  }
0x9f: {  	s1 =	sadd.s32 $0xFFFFFFFF, s15;
	s0 =	rddreg [dreg:$0x3];
	[sflag:s2] =	ssyncset.done $0x0  }
.LBB2_4:
0xa0: {  	[sflag:s2] =	ssyncadd.s32 $0xFFFF0000  }
0xa1: {  	[tilespmem:s23], [sflag:$0x2] =	stream.linear.gather [hbm4b:s0+s23], $0xC00, $0x38;
	[tilespmem:$0x10C00] =	vst v63  }
0xa2: {  	_ =	swait.ge [sflag:s2], $0xC00  }
0xa3: {  	[sflag:s2] =	ssyncset.done $0x0  }
0xa4: {  	[sflag:s2] =	ssyncadd.s32 $0xFFFFF400  }
0xa5: {  	[tilespmem:s4], [sflag:$0x1] =	stream.indirect.gather [hbm4b:s5+s3], $0x40, s23, s3, $0xb8;
	[tilespmem:$0x10C00] =	vst v63  }
0xa6: {  	_ = 	snop  }
0xa7: {  	[tilespmem:s8], [sflag:$0x1] =	stream.indirect.gather [hbm4b:s5+s3], $0x40, s3, s3, $0xb8;
	[tilespmem:$0x10C00] =	vst v63  }
0xa8: {  	s0 =	rddreg [dreg:$0x7]  }
0xa9: {  	[tilespmem:s9], [sflag:$0x1] =	stream.indirect.gather [hbm4b:s5+s3], $0x40, s0, s3, $0xb8;
	[tilespmem:$0x10C00] =	vst v63  }
0xaa: {  	s15 =	rddreg [dreg:$0x8]  }
0xab: {  	[tilespmem:s10], [sflag:$0x1] =	stream.indirect.gather [hbm4b:s5+s3], $0x40, s15, s3, $0xb8;
	[tilespmem:$0x10C00] =	vst v63  }
0xac: {  	s0 =	rddreg [dreg:$0x9]  }
0xad: {  	[tilespmem:s11], [sflag:$0x1] =	stream.indirect.gather [hbm4b:s5+s3], $0x40, s0, s3, $0xb8;
	[tilespmem:$0x10C00] =	vst v63  }
0xae: {  	s15 =	rddreg [dreg:$0xa]  }
0xaf: {  	[tilespmem:s12], [sflag:$0x1] =	stream.indirect.gather [hbm4b:s5+s3], $0x40, s15, s3, $0xb8;
	[tilespmem:$0x10C00] =	vst v63  }
0xb0: {  	s0 =	rddreg [dreg:$0xb]  }
0xb1: {  	[tilespmem:s13], [sflag:$0x1] =	stream.indirect.gather [hbm4b:s5+s3], $0x40, s0, s3, $0xb8;
	[tilespmem:$0x10C00] =	vst v63  }
0xb2: {  	s15 =	rddreg [dreg:$0xc]  }
0xb3: {  	[tilespmem:s14], [sflag:$0x1] =	stream.indirect.gather [hbm4b:s5+s3], $0x40, s15, s3, $0xb8;
	[tilespmem:$0x10C00] =	vst v63  }
0xb4: {  	_ =	swait.ge [sflag:s6], $0x2000  }
0xb5: {  	[sflag:s6] =	ssyncset.done $0x0  }
0xb6: {  	[sflag:s6] =	ssyncadd.s32 $0xFFFFE000  }
0xb7: {  	_ =	swait.ge [sflag:s6], $0x2000  }
0xb8: {  	[sflag:s6] =	ssyncset.done $0x0  }
0xb9: {  	[sflag:s6] =	ssyncadd.s32 $0xFFFFE000  }
0xba: {  	_ =	swait.ge [sflag:s6], $0x2000  }
0xbb: {  	[sflag:s6] =	ssyncset.done $0x0  }
0xbc: {  	[sflag:s6] =	ssyncadd.s32 $0xFFFFE000  }
0xbd: {  	_ =	swait.ge [sflag:s6], $0x2000  }
0xbe: {  	[sflag:s6] =	ssyncset.done $0x0  }
0xbf: {  	[sflag:s6] =	ssyncadd.s32 $0xFFFFE000  }
0xc0: {  	_ =	swait.ge [sflag:s6], $0x2000  }
0xc1: {  	[sflag:s6] =	ssyncset.done $0x0  }
0xc2: {  	[sflag:s6] =	ssyncadd.s32 $0xFFFFE000  }
0xc3: {  	_ =	swait.ge [sflag:s6], $0x2000  }
0xc4: {  	[sflag:s6] =	ssyncset.done $0x0  }
0xc5: {  	[sflag:s6] =	ssyncadd.s32 $0xFFFFE000  }
0xc6: {  	_ =	swait.ge [sflag:s6], $0x2000  }
0xc7: {  	[sflag:s6] =	ssyncset.done $0x0  }
0xc8: {  	[sflag:s6] =	ssyncadd.s32 $0xFFFFE000  }
0xc9: {  	_ =	swait.ge [sflag:s6], $0x2000  }
0xca: {  	[sflag:s6] =	ssyncset.done $0x0  }
0xcb: {  	s15 =	rddreg [dreg:$0x4];
	[sflag:s6] =	ssyncadd.s32 $0xFFFFE000  }
0xcc: {  	[hbm4b:s15+s7] =	stream.strided.scatter [tilespmem:s4], [sflag:$0x2], $0x10000, s3, s7, $0x38;
	[tilespmem:$0x10C00] =	vst v63  }
0xcd: {  	_ =	swait.ge [sflag:s2], $0x10000  }
0xce: {  	[sflag:s2] =	ssyncset.done $0x0  }
0xcf: {  	s15 =	rddreg [dreg:$0xd];
	[sflag:s2] =	ssyncadd.s32 $0xFFFF0000  }
0xd0: {  	[tilespmem:s4], [sflag:$0x1] =	stream.indirect.gather [hbm4b:s5+s3], $0x40, s15, s3, $0xb8;
	[tilespmem:$0x10C00] =	vst v63  }
0xd1: {  	_ = 	snop  }
0xd2: {  	[tilespmem:s8], [sflag:$0x1] =	stream.indirect.gather [hbm4b:s5+s3], $0x40, s25, s3, $0xb8;
	[tilespmem:$0x10C00] =	vst v63  }
0xd3: {  	_ = 	snop  }
0xd4: {  	[tilespmem:s9], [sflag:$0x1] =	stream.indirect.gather [hbm4b:s5+s3], $0x40, s26, s3, $0xb8;
	[tilespmem:$0x10C00] =	vst v63  }
0xd5: {  	_ = 	snop  }
0xd6: {  	[tilespmem:s10], [sflag:$0x1] =	stream.indirect.gather [hbm4b:s5+s3], $0x40, s28, s3, $0xb8;
	[tilespmem:$0x10C00] =	vst v63  }
0xd7: {  	_ = 	snop  }
0xd8: {  	[tilespmem:s11], [sflag:$0x1] =	stream.indirect.gather [hbm4b:s5+s3], $0x40, s29, s3, $0xb8;
	[tilespmem:$0x10C00] =	vst v63  }
0xd9: {  	_ = 	snop  }
0xda: {  	[tilespmem:s12], [sflag:$0x1] =	stream.indirect.gather [hbm4b:s5+s3], $0x40, s30, s3, $0xb8;
	[tilespmem:$0x10C00] =	vst v63  }
0xdb: {  	_ = 	snop  }
0xdc: {  	[tilespmem:s13], [sflag:$0x1] =	stream.indirect.gather [hbm4b:s5+s3], $0x40, s31, s3, $0xb8;
	[tilespmem:$0x10C00] =	vst v63  }
0xdd: {  	_ = 	snop  }
0xde: {  	[tilespmem:s14], [sflag:$0x1] =	stream.indirect.gather [hbm4b:s5+s3], $0x40, s16, s3, $0xb8;
	[tilespmem:$0x10C00] =	vst v63  }
0xdf: {  	_ =	swait.ge [sflag:s6], $0x2000  }
0xe0: {  	[sflag:s6] =	ssyncset.done $0x0  }
0xe1: {  	[sflag:s6] =	ssyncadd.s32 $0xFFFFE000  }
0xe2: {  	_ =	swait.ge [sflag:s6], $0x2000  }
0xe3: {  	[sflag:s6] =	ssyncset.done $0x0  }
0xe4: {  	[sflag:s6] =	ssyncadd.s32 $0xFFFFE000  }
0xe5: {  	_ =	swait.ge [sflag:s6], $0x2000  }
0xe6: {  	[sflag:s6] =	ssyncset.done $0x0  }
0xe7: {  	[sflag:s6] =	ssyncadd.s32 $0xFFFFE000  }
0xe8: {  	_ =	swait.ge [sflag:s6], $0x2000  }
0xe9: {  	[sflag:s6] =	ssyncset.done $0x0  }
0xea: {  	[sflag:s6] =	ssyncadd.s32 $0xFFFFE000  }
0xeb: {  	_ =	swait.ge [sflag:s6], $0x2000  }
0xec: {  	[sflag:s6] =	ssyncset.done $0x0  }
0xed: {  	[sflag:s6] =	ssyncadd.s32 $0xFFFFE000  }
0xee: {  	_ =	swait.ge [sflag:s6], $0x2000  }
0xef: {  	[sflag:s6] =	ssyncset.done $0x0  }
0xf0: {  	[sflag:s6] =	ssyncadd.s32 $0xFFFFE000  }
0xf1: {  	_ =	swait.ge [sflag:s6], $0x2000  }
0xf2: {  	[sflag:s6] =	ssyncset.done $0x0  }
0xf3: {  	[sflag:s6] =	ssyncadd.s32 $0xFFFFE000  }
0xf4: {  	_ =	swait.ge [sflag:s6], $0x2000  }
0xf5: {  	[sflag:s6] =	ssyncset.done $0x0  }
0xf6: {  	s15 =	rddreg [dreg:$0x5];
	[sflag:s6] =	ssyncadd.s32 $0xFFFFE000  }
0xf7: {  	[hbm4b:s15+s7] =	stream.strided.scatter [tilespmem:s4], [sflag:$0x2], $0x10000, s3, s7, $0x38;
	[tilespmem:$0x10C00] =	vst v63  }
0xf8: {  	_ =	swait.ge [sflag:s2], $0x10000  }
0xf9: {  	[sflag:s2] =	ssyncset.done $0x0  }
0xfa: {  	s15 =	simm.s32 $0x800;
	[sflag:s2] =	ssyncadd.s32 $0xFFFF0000  }
0xfb: {  	[tilespmem:s4], [sflag:$0x1] =	stream.indirect.gather [hbm4b:s5+s3], $0x40, s15, s3, $0xb8;
	[tilespmem:$0x10C00] =	vst v63  }
0xfc: {  	_ = 	snop  }
0xfd: {  	[tilespmem:s8], [sflag:$0x1] =	stream.indirect.gather [hbm4b:s5+s3], $0x40, s17, s3, $0xb8;
	[tilespmem:$0x10C00] =	vst v63  }
0xfe: {  	_ = 	snop  }
0xff: {  	[tilespmem:s9], [sflag:$0x1] =	stream.indirect.gather [hbm4b:s5+s3], $0x40, s18, s3, $0xb8;
	[tilespmem:$0x10C00] =	vst v63  }
0x100: {  	_ = 	snop  }
0x101: {  	[tilespmem:s10], [sflag:$0x1] =	stream.indirect.gather [hbm4b:s5+s3], $0x40, s19, s3, $0xb8;
	[tilespmem:$0x10C00] =	vst v63  }
0x102: {  	_ = 	snop  }
0x103: {  	[tilespmem:s11], [sflag:$0x1] =	stream.indirect.gather [hbm4b:s5+s3], $0x40, s20, s3, $0xb8;
	[tilespmem:$0x10C00] =	vst v63  }
0x104: {  	_ = 	snop  }
0x105: {  	[tilespmem:s12], [sflag:$0x1] =	stream.indirect.gather [hbm4b:s5+s3], $0x40, s21, s3, $0xb8;
	[tilespmem:$0x10C00] =	vst v63  }
0x106: {  	_ = 	snop  }
0x107: {  	[tilespmem:s13], [sflag:$0x1] =	stream.indirect.gather [hbm4b:s5+s3], $0x40, s22, s3, $0xb8;
	[tilespmem:$0x10C00] =	vst v63  }
0x108: {  	_ = 	snop  }
0x109: {  	[tilespmem:s14], [sflag:$0x1] =	stream.indirect.gather [hbm4b:s5+s3], $0x40, s24, s3, $0xb8;
	[tilespmem:$0x10C00] =	vst v63  }
0x10a: {  	_ =	swait.ge [sflag:s6], $0x2000  }
0x10b: {  	[sflag:s6] =	ssyncset.done $0x0  }
0x10c: {  	[sflag:s6] =	ssyncadd.s32 $0xFFFFE000  }
0x10d: {  	_ =	swait.ge [sflag:s6], $0x2000  }
0x10e: {  	[sflag:s6] =	ssyncset.done $0x0  }
0x10f: {  	[sflag:s6] =	ssyncadd.s32 $0xFFFFE000  }
0x110: {  	_ =	swait.ge [sflag:s6], $0x2000  }
0x111: {  	[sflag:s6] =	ssyncset.done $0x0  }
0x112: {  	[sflag:s6] =	ssyncadd.s32 $0xFFFFE000  }
0x113: {  	_ =	swait.ge [sflag:s6], $0x2000  }
0x114: {  	[sflag:s6] =	ssyncset.done $0x0  }
0x115: {  	[sflag:s6] =	ssyncadd.s32 $0xFFFFE000  }
0x116: {  	_ =	swait.ge [sflag:s6], $0x2000  }
0x117: {  	[sflag:s6] =	ssyncset.done $0x0  }
0x118: {  	[sflag:s6] =	ssyncadd.s32 $0xFFFFE000  }
0x119: {  	_ =	swait.ge [sflag:s6], $0x2000  }
0x11a: {  	[sflag:s6] =	ssyncset.done $0x0  }
0x11b: {  	[sflag:s6] =	ssyncadd.s32 $0xFFFFE000  }
0x11c: {  	_ =	swait.ge [sflag:s6], $0x2000  }
0x11d: {  	[sflag:s6] =	ssyncset.done $0x0  }
0x11e: {  	[sflag:s6] =	ssyncadd.s32 $0xFFFFE000  }
0x11f: {  	p1 =	sne.s32 s1, $0x1;
	_ =	swait.ge [sflag:s6], $0x2000  }
.Ltmp2:
0x120: {  	[sflag:s6] =	ssyncset.done $0x0;
	(pc) =	sbr.rel @p1 .LBB2_4-.Ltmp2, $4  }
0x121: {  	s15 =	rddreg [dreg:$0x6];
	[sflag:s6] =	ssyncadd.s32 $0xFFFFE000  }
0x122: {  	[hbm4b:s15+s7] =	stream.strided.scatter [tilespmem:s4], [sflag:$0x2], $0x10000, s3, s7, $0x38;
	[tilespmem:$0x10C00] =	vst v63  }
0x123: {  	_ =	swait.ge [sflag:s2], $0x10000  }
0x124: {  	s1 =	sadd.s32 $0xFFFFFFFF, s1;
	s0 =	rddreg [dreg:$0x3];
	[sflag:s2] =	ssyncset.done $0x0  }
0x125: {  	s24 =	simm.s32 $0x780;
	s31 =	simm.s32 $0x700;
	s30 =	simm.s32 $0x680  }
0x126: {  	s29 =	simm.s32 $0x600;
	s28 =	simm.s32 $0x580;
	s26 =	simm.s32 $0x500  }
0x127: {  	s25 =	simm.s32 $0x480;
	s22 =	simm.s32 $0xB00;
	s21 =	simm.s32 $0xA80  }
0x128: {  	s20 =	simm.s32 $0xA00;
	s19 =	simm.s32 $0x980;
	s18 =	simm.s32 $0x900  }
0x129: {  	s17 =	simm.s32 $0x880;
	s16 =	simm.s32 $0x800;
	s15 =	stileid.u32  }
.LBB2_6:
0x12a: {  	[sflag:s2] =	ssyncadd.s32 @p0 $0xFFFF0000  }
0x12b: {  	[tilespmem:s23], [sflag:$0x2] =	stream.linear.gather [hbm4b:s0+s23], $0xC00, $0x38;
	[tilespmem:$0x10C00] =	vst v63  }
0x12c: {  	_ =	swait.ge [sflag:s2], $0xC00  }
0x12d: {  	[sflag:s2] =	ssyncset.done $0x0  }
0x12e: {  	[sflag:s2] =	ssyncadd.s32 $0xFFFFF400  }
0x12f: {  	[tilespmem:s4], [sflag:$0x1] =	stream.indirect.gather [hbm4b:s5+s3], $0x40, s23, s3, $0xb8;
	[tilespmem:$0x10C00] =	vst v63  }
0x130: {  	_ = 	snop  }
0x131: {  	[tilespmem:s8], [sflag:$0x1] =	stream.indirect.gather [hbm4b:s5+s3], $0x40, s3, s3, $0xb8;
	[tilespmem:$0x10C00] =	vst v63  }
0x132: {  	s23 =	rddreg [dreg:$0x7]  }
0x133: {  	[tilespmem:s9], [sflag:$0x1] =	stream.indirect.gather [hbm4b:s5+s3], $0x40, s23, s3, $0xb8;
	[tilespmem:$0x10C00] =	vst v63  }
0x134: {  	s1 =	rddreg [dreg:$0x8]  }
0x135: {  	[tilespmem:s10], [sflag:$0x1] =	stream.indirect.gather [hbm4b:s5+s3], $0x40, s1, s3, $0xb8;
	[tilespmem:$0x10C00] =	vst v63  }
0x136: {  	s0 =	rddreg [dreg:$0x9]  }
0x137: {  	[tilespmem:s11], [sflag:$0x1] =	stream.indirect.gather [hbm4b:s5+s3], $0x40, s0, s3, $0xb8;
	[tilespmem:$0x10C00] =	vst v63  }
0x138: {  	s23 =	rddreg [dreg:$0xa]  }
0x139: {  	[tilespmem:s12], [sflag:$0x1] =	stream.indirect.gather [hbm4b:s5+s3], $0x40, s23, s3, $0xb8;
	[tilespmem:$0x10C00] =	vst v63  }
0x13a: {  	s0 =	rddreg [dreg:$0xb]  }
0x13b: {  	[tilespmem:s13], [sflag:$0x1] =	stream.indirect.gather [hbm4b:s5+s3], $0x40, s0, s3, $0xb8;
	[tilespmem:$0x10C00] =	vst v63  }
0x13c: {  	s23 =	rddreg [dreg:$0xc]  }
0x13d: {  	[tilespmem:s14], [sflag:$0x1] =	stream.indirect.gather [hbm4b:s5+s3], $0x40, s23, s3, $0xb8;
	[tilespmem:$0x10C00] =	vst v63  }
0x13e: {  	_ =	swait.ge [sflag:s6], $0x2000  }
0x13f: {  	[sflag:s6] =	ssyncset.done $0x0  }
0x140: {  	[sflag:s6] =	ssyncadd.s32 $0xFFFFE000  }
0x141: {  	_ =	swait.ge [sflag:s6], $0x2000  }
0x142: {  	[sflag:s6] =	ssyncset.done $0x0  }
0x143: {  	[sflag:s6] =	ssyncadd.s32 $0xFFFFE000  }
0x144: {  	_ =	swait.ge [sflag:s6], $0x2000  }
0x145: {  	[sflag:s6] =	ssyncset.done $0x0  }
0x146: {  	[sflag:s6] =	ssyncadd.s32 $0xFFFFE000  }
0x147: {  	_ =	swait.ge [sflag:s6], $0x2000  }
0x148: {  	[sflag:s6] =	ssyncset.done $0x0  }
0x149: {  	[sflag:s6] =	ssyncadd.s32 $0xFFFFE000  }
0x14a: {  	_ =	swait.ge [sflag:s6], $0x2000  }
0x14b: {  	[sflag:s6] =	ssyncset.done $0x0  }
0x14c: {  	[sflag:s6] =	ssyncadd.s32 $0xFFFFE000  }
0x14d: {  	_ =	swait.ge [sflag:s6], $0x2000  }
0x14e: {  	[sflag:s6] =	ssyncset.done $0x0  }
0x14f: {  	[sflag:s6] =	ssyncadd.s32 $0xFFFFE000  }
0x150: {  	_ =	swait.ge [sflag:s6], $0x2000  }
0x151: {  	[sflag:s6] =	ssyncset.done $0x0  }
0x152: {  	[sflag:s6] =	ssyncadd.s32 $0xFFFFE000  }
0x153: {  	_ =	swait.ge [sflag:s6], $0x2000  }
0x154: {  	[sflag:s6] =	ssyncset.done $0x0  }
0x155: {  	s1 =	rddreg [dreg:$0x4];
	[sflag:s6] =	ssyncadd.s32 $0xFFFFE000  }
0x156: {  	[hbm4b:s1+s7] =	stream.strided.scatter [tilespmem:s4], [sflag:$0x2], $0x10000, s3, s7, $0x38;
	[tilespmem:$0x10C00] =	vst v63  }
0x157: {  	_ =	swait.ge [sflag:s2], $0x10000  }
0x158: {  	[sflag:s2] =	ssyncset.done $0x0  }
0x159: {  	s23 =	rddreg [dreg:$0xd];
	[sflag:s2] =	ssyncadd.s32 $0xFFFF0000  }
0x15a: {  	[tilespmem:s4], [sflag:$0x1] =	stream.indirect.gather [hbm4b:s5+s3], $0x40, s23, s3, $0xb8;
	[tilespmem:$0x10C00] =	vst v63  }
0x15b: {  	_ = 	snop  }
0x15c: {  	[tilespmem:s8], [sflag:$0x1] =	stream.indirect.gather [hbm4b:s5+s3], $0x40, s25, s3, $0xb8;
	[tilespmem:$0x10C00] =	vst v63  }
0x15d: {  	_ = 	snop  }
0x15e: {  	[tilespmem:s9], [sflag:$0x1] =	stream.indirect.gather [hbm4b:s5+s3], $0x40, s26, s3, $0xb8;
	[tilespmem:$0x10C00] =	vst v63  }
0x15f: {  	_ = 	snop  }
0x160: {  	[tilespmem:s10], [sflag:$0x1] =	stream.indirect.gather [hbm4b:s5+s3], $0x40, s28, s3, $0xb8;
	[tilespmem:$0x10C00] =	vst v63  }
0x161: {  	_ = 	snop  }
0x162: {  	[tilespmem:s11], [sflag:$0x1] =	stream.indirect.gather [hbm4b:s5+s3], $0x40, s29, s3, $0xb8;
	[tilespmem:$0x10C00] =	vst v63  }
0x163: {  	_ = 	snop  }
0x164: {  	[tilespmem:s12], [sflag:$0x1] =	stream.indirect.gather [hbm4b:s5+s3], $0x40, s30, s3, $0xb8;
	[tilespmem:$0x10C00] =	vst v63  }
0x165: {  	_ = 	snop  }
0x166: {  	[tilespmem:s13], [sflag:$0x1] =	stream.indirect.gather [hbm4b:s5+s3], $0x40, s31, s3, $0xb8;
	[tilespmem:$0x10C00] =	vst v63  }
0x167: {  	_ = 	snop  }
0x168: {  	[tilespmem:s14], [sflag:$0x1] =	stream.indirect.gather [hbm4b:s5+s3], $0x40, s24, s3, $0xb8;
	[tilespmem:$0x10C00] =	vst v63  }
0x169: {  	_ =	swait.ge [sflag:s6], $0x2000  }
0x16a: {  	[sflag:s6] =	ssyncset.done $0x0  }
0x16b: {  	[sflag:s6] =	ssyncadd.s32 $0xFFFFE000  }
0x16c: {  	_ =	swait.ge [sflag:s6], $0x2000  }
0x16d: {  	[sflag:s6] =	ssyncset.done $0x0  }
0x16e: {  	[sflag:s6] =	ssyncadd.s32 $0xFFFFE000  }
0x16f: {  	_ =	swait.ge [sflag:s6], $0x2000  }
0x170: {  	[sflag:s6] =	ssyncset.done $0x0  }
0x171: {  	[sflag:s6] =	ssyncadd.s32 $0xFFFFE000  }
0x172: {  	_ =	swait.ge [sflag:s6], $0x2000  }
0x173: {  	[sflag:s6] =	ssyncset.done $0x0  }
0x174: {  	[sflag:s6] =	ssyncadd.s32 $0xFFFFE000  }
0x175: {  	_ =	swait.ge [sflag:s6], $0x2000  }
0x176: {  	[sflag:s6] =	ssyncset.done $0x0  }
0x177: {  	[sflag:s6] =	ssyncadd.s32 $0xFFFFE000  }
0x178: {  	_ =	swait.ge [sflag:s6], $0x2000  }
0x179: {  	[sflag:s6] =	ssyncset.done $0x0  }
0x17a: {  	[sflag:s6] =	ssyncadd.s32 $0xFFFFE000  }
0x17b: {  	_ =	swait.ge [sflag:s6], $0x2000  }
0x17c: {  	[sflag:s6] =	ssyncset.done $0x0  }
0x17d: {  	[sflag:s6] =	ssyncadd.s32 $0xFFFFE000  }
0x17e: {  	_ =	swait.ge [sflag:s6], $0x2000  }
0x17f: {  	[sflag:s6] =	ssyncset.done $0x0  }
0x180: {  	s29 =	rddreg [dreg:$0x5];
	[sflag:s6] =	ssyncadd.s32 $0xFFFFE000  }
0x181: {  	[hbm4b:s29+s7] =	stream.strided.scatter [tilespmem:s4], [sflag:$0x2], $0x10000, s3, s7, $0x38;
	[tilespmem:$0x10C00] =	vst v63  }
0x182: {  	_ =	swait.ge [sflag:s2], $0x10000  }
0x183: {  	[sflag:s2] =	ssyncset.done $0x0  }
0x184: {  	[sflag:s2] =	ssyncadd.s32 $0xFFFF0000  }
0x185: {  	[tilespmem:s4], [sflag:$0x1] =	stream.indirect.gather [hbm4b:s5+s3], $0x40, s16, s3, $0xb8;
	[tilespmem:$0x10C00] =	vst v63  }
0x186: {  	_ = 	snop  }
0x187: {  	[tilespmem:s8], [sflag:$0x1] =	stream.indirect.gather [hbm4b:s5+s3], $0x40, s17, s3, $0xb8;
	[tilespmem:$0x10C00] =	vst v63  }
0x188: {  	_ = 	snop  }
0x189: {  	[tilespmem:s9], [sflag:$0x1] =	stream.indirect.gather [hbm4b:s5+s3], $0x40, s18, s3, $0xb8;
	[tilespmem:$0x10C00] =	vst v63  }
0x18a: {  	_ = 	snop  }
0x18b: {  	[tilespmem:s10], [sflag:$0x1] =	stream.indirect.gather [hbm4b:s5+s3], $0x40, s19, s3, $0xb8;
	[tilespmem:$0x10C00] =	vst v63  }
0x18c: {  	_ = 	snop  }
0x18d: {  	[tilespmem:s11], [sflag:$0x1] =	stream.indirect.gather [hbm4b:s5+s3], $0x40, s20, s3, $0xb8;
	[tilespmem:$0x10C00] =	vst v63  }
0x18e: {  	_ = 	snop  }
0x18f: {  	[tilespmem:s12], [sflag:$0x1] =	stream.indirect.gather [hbm4b:s5+s3], $0x40, s21, s3, $0xb8;
	[tilespmem:$0x10C00] =	vst v63  }
0x190: {  	_ = 	snop  }
0x191: {  	[tilespmem:s13], [sflag:$0x1] =	stream.indirect.gather [hbm4b:s5+s3], $0x40, s22, s3, $0xb8;
	[tilespmem:$0x10C00] =	vst v63  }
0x192: {  	s30 =	simm.s32 $0xB80  }
0x193: {  	[tilespmem:s14], [sflag:$0x1] =	stream.indirect.gather [hbm4b:s5+s3], $0x40, s30, s3, $0xb8;
	[tilespmem:$0x10C00] =	vst v63  }
0x194: {  	_ =	swait.ge [sflag:s6], $0x2000  }
0x195: {  	[sflag:s6] =	ssyncset.done $0x0  }
0x196: {  	[sflag:s6] =	ssyncadd.s32 $0xFFFFE000  }
0x197: {  	_ =	swait.ge [sflag:s6], $0x2000  }
0x198: {  	[sflag:s6] =	ssyncset.done $0x0  }
0x199: {  	[sflag:s6] =	ssyncadd.s32 $0xFFFFE000  }
0x19a: {  	_ =	swait.ge [sflag:s6], $0x2000  }
0x19b: {  	[sflag:s6] =	ssyncset.done $0x0  }
0x19c: {  	[sflag:s6] =	ssyncadd.s32 $0xFFFFE000  }
0x19d: {  	_ =	swait.ge [sflag:s6], $0x2000  }
0x19e: {  	[sflag:s6] =	ssyncset.done $0x0  }
0x19f: {  	[sflag:s6] =	ssyncadd.s32 $0xFFFFE000  }
0x1a0: {  	_ =	swait.ge [sflag:s6], $0x2000  }
0x1a1: {  	[sflag:s6] =	ssyncset.done $0x0  }
0x1a2: {  	[sflag:s6] =	ssyncadd.s32 $0xFFFFE000  }
0x1a3: {  	_ =	swait.ge [sflag:s6], $0x2000  }
0x1a4: {  	[sflag:s6] =	ssyncset.done $0x0  }
0x1a5: {  	[sflag:s6] =	ssyncadd.s32 $0xFFFFE000  }
0x1a6: {  	_ =	swait.ge [sflag:s6], $0x2000  }
0x1a7: {  	[sflag:s6] =	ssyncset.done $0x0  }
0x1a8: {  	[sflag:s6] =	ssyncadd.s32 $0xFFFFE000  }
0x1a9: {  	_ =	swait.ge [sflag:s6], $0x2000  }
0x1aa: {  	[sflag:s6] =	ssyncset.done $0x0  }
0x1ab: {  	s31 =	rddreg [dreg:$0x6];
	[sflag:s6] =	ssyncadd.s32 $0xFFFFE000  }
0x1ac: {  	[hbm4b:s31+s7] =	stream.strided.scatter [tilespmem:s4], [sflag:$0x2], $0x10000, s3, s7, $0x38;
	[tilespmem:$0x10C00] =	vst v63  }
0x1ad: {  	_ =	swait.ge [sflag:s2], $0x10000  }
0x1ae: {  	[sflag:s2] =	ssyncset.done $0x0  }
0x1af: {  	[sflag:s2] =	ssyncadd.s32 $0xFFFF0000  }
0x1b0: {  	_ =	sfence.sel $0x180000  }
0x1b1: {  	[bflag:$0x0] =	sbarrier.arrive $0xFFFF  }
0x1b2: {  	_ =	strace $0x90000047  }
0x1b3: {  	[bflag:$0x2] =	sbarrier.arrive $0xFFFF  }
0x1b4: {  	p0 =	sne.s32 s15, $0x0;
	s0 =	rddreg [dreg:$0x2]  }
0x1b5: {  	s0 =	sadd.s32 @!p0 $0x100000, s0  }
0x1b6: {  	[sflag:s0] =	ssyncadd.tile.s32 @!p0 $0x1;
	_ =	shalt  }
.LBB2_1:
.Ltmp3:
0x1b7: {  	s24 =	simm.s32 $0x780;
	s31 =	simm.s32 $0x700;
	(pc) =	sbr.rel .LBB2_6-.Ltmp3, $4  }
0x1b8: {  	s30 =	simm.s32 $0x680;
	s29 =	simm.s32 $0x600;
	s28 =	simm.s32 $0x580  }
0x1b9: {  	s26 =	simm.s32 $0x500;
	s25 =	simm.s32 $0x480;
	s22 =	simm.s32 $0xB00  }
0x1ba: {  	s21 =	simm.s32 $0xA80;
	s20 =	simm.s32 $0xA00;
	s19 =	simm.s32 $0x980  }
0x1bb: {  	s18 =	simm.s32 $0x900;
	s17 =	simm.s32 $0x880;
	s16 =	simm.s32 $0x800  }
.LBB2_3:
0x1bc: {  	s24 =	simm.s32 $0x780  }
.Ltmp4:
0x1bd: {  	s31 =	simm.s32 $0x700;
	s30 =	simm.s32 $0x680;
	(pc) =	sbr.rel .LBB2_6-.Ltmp4, $4  }
0x1be: {  	s29 =	simm.s32 $0x600;
	s28 =	simm.s32 $0x580;
	s26 =	simm.s32 $0x500  }
0x1bf: {  	s25 =	simm.s32 $0x480;
	s22 =	simm.s32 $0xB00;
	s21 =	simm.s32 $0xA80  }
0x1c0: {  	s20 =	simm.s32 $0xA00;
	s19 =	simm.s32 $0x980;
	s18 =	simm.s32 $0x900  }
0x1c1: {  	s17 =	simm.s32 $0x880;
	s16 =	simm.s32 $0x800;
	s15 =	stileid.u32  }
.Lfunc_end2:
_tile_overlayer_lowered:
.L_overlay_start_2:
0x1c2: {  	(tag) =	ssettag $0x2  }
0x1c3: {  	s0 =	rddreg [dreg:$0x0];
	s2 =	stileid.u32  }
0x1c4: {  	s1 =	rddreg [dreg:$0x1];
	p0 =	sne.s32 s2, $0x0  }
0x1c5: {  	s3 =	rddreg [dreg:$0x2];
	[bflag:$0x3] =	sbarrier.arrive $0xFFFF;
	s2 =	simm.s32 @!p0 $0x1C02  }
0x1c6: {  	[timem:s3], [sflag:s2] =	dma.local @!p0 [hbm:s0], s1  }
0x1c7: {  	s0 =	simm.s32 @!p0 $0x2  }
0x1c8: {  	_ =	swait.ge @!p0 [sflag:s0], s1  }
0x1c9: {  	s1 =	ssub.s32 @!p0 $0x0, s1;
	[sflag:s0] =	ssyncset.done @!p0 $0x0  }
0x1ca: {  	[sflag:s0] =	ssyncadd.s32 @!p0 s1  }
0x1cb: {  	[bflag:$0x3] =	sbarrier.arrive $0xFFFF  }
0x1cc: {  	_ =	shalt  }

</sc_bundles>
